<compile_context>
chip_gen: v7x
topology: tpu7x:2x2x1
jax: 0.10.2.dev20260603
libtpu: 0.0.44.dev20260713+nightly
codegen_flags: <defaults>
</compile_context>

<pallas_src>
import functools

import jax
import jax.numpy as jnp
from jax import lax
from jax.experimental import pallas as pl
from jax.experimental.pallas import tpu as pltpu
from jax.experimental.pallas import tpu_sc as plsc

B = 4096
L = 128
F = 128
V = 100000

VBLK = 4096
VPAD = 2 * 13 * VBLK
HALF = VPAD // 2

NC = 2
NS = 16
NW = NC * NS
N_IDX = B * L
PER_W = N_IDX // NW
CHUNK = 8192
NCHUNK = PER_W // CHUNK
NBUF = 2
LANES = 16



def _bf16_bits(m):
    bits = lax.bitcast_convert_type(m, jnp.int32)
    return bits + jnp.int32(0x7FFF) + (lax.shift_right_logical(bits, 16) & 1)


def _rowmean_body(lo_ref, hi_ref, s_ref):
    ones = jnp.full((F,), 1.0 / F, dtype=jnp.float32)

    def rmean(ref):
        e3 = ref[...].reshape(VBLK // 128, 128, F)
        return lax.dot_general(e3, ones, (((2,), (0,)), ((), ())),
                               preferred_element_type=jnp.float32)

    m_lo = rmean(lo_ref)
    m_hi = rmean(hi_ref)
    pad0 = (pl.program_id(0) == 0) & (
        (lax.broadcasted_iota(jnp.int32, m_lo.shape, 0)
         + lax.broadcasted_iota(jnp.int32, m_lo.shape, 1)) == 0)
    m_lo = jnp.where(pad0, 0.0, m_lo)
    lo16 = lax.shift_right_logical(_bf16_bits(m_lo), 16)
    hi16 = _bf16_bits(m_hi) & jnp.int32(-65536)
    s_ref[...] = lo16 | hi16


def _row_means(emb):
    nblk = HALF // VBLK
    last = (V - 1) // VBLK
    return pl.pallas_call(
        _rowmean_body,
        grid=(nblk,),
        in_specs=[pl.BlockSpec((VBLK, F), lambda i: (i, 0)),
                  pl.BlockSpec((VBLK, F),
                               lambda i: (jnp.minimum(i + nblk, last), 0))],
        out_specs=pl.BlockSpec((VBLK // 128, 128), lambda i: (i, 0)),
        out_shape=jax.ShapeDtypeStruct((HALF // 128, 128), jnp.int32),
    )(emb, emb).reshape(HALF)



@functools.cache
def _sc_gather_fn():
    mesh = plsc.VectorSubcoreMesh(
        core_axis_name="c", subcore_axis_name="s",
        num_cores=NC, num_subcores=NS)

    @functools.partial(
        pl.kernel,
        mesh=mesh,
        out_type=jax.ShapeDtypeStruct((N_IDX,), jnp.float32),
        compiler_params=pltpu.CompilerParams(needs_layout_passes=False),
        scratch_types=[
            pltpu.VMEM((HALF,), jnp.int32),
            pltpu.VMEM((NBUF, CHUNK), jnp.int32),
            pltpu.VMEM((NBUF, CHUNK), jnp.float32),
            pltpu.SemaphoreType.DMA,
            pltpu.SemaphoreType.DMA,
            pltpu.SemaphoreType.DMA,
            pltpu.SemaphoreType.DMA,
            pltpu.SemaphoreType.DMA,
        ],
    )
    def _sc_gather(s_hbm, x_hbm, out_hbm, s_v, idx_v, out_v,
                   s_sem, i_sem0, i_sem1, o_sem0, o_sem1):
        wid = lax.axis_index("s") * NC + lax.axis_index("c")
        base = wid * PER_W
        i_sems = (i_sem0, i_sem1)
        o_sems = (o_sem0, o_sem1)
        s_cp = pltpu.async_copy(s_hbm, s_v, s_sem)
        idx_cps = [
            pltpu.async_copy(x_hbm.at[pl.ds(base + c * CHUNK, CHUNK)],
                             idx_v.at[c], i_sems[c])
            for c in range(NBUF)
        ]
        out_cps = [None] * NBUF
        s_cp.wait()
        for c in range(NCHUNK):
            b = c % NBUF
            idx_cps[b].wait()
            if c >= NBUF:
                out_cps[b].wait()

            @plsc.parallel_loop(0, CHUNK // LANES, unroll=16)
            def _(i):
                off = i * LANES
                idx16 = idx_v[b, pl.ds(off, LANES)]
                ge = idx16 >= HALF
                wi = idx16 - jnp.where(ge, HALF, 0)
                w = plsc.load_gather(s_v, [wi])
                lo = lax.shift_left(w, 16)
                hi = w & jnp.int32(-65536)
                out_v[b, pl.ds(off, LANES)] = plsc.bitcast(
                    jnp.where(ge, hi, lo), jnp.float32)

            out_cps[b] = pltpu.async_copy(
                out_v.at[b], out_hbm.at[pl.ds(base + c * CHUNK, CHUNK)],
                o_sems[b])
            if c + NBUF < NCHUNK:
                idx_cps[b] = pltpu.async_copy(
                    x_hbm.at[pl.ds(base + (c + NBUF) * CHUNK, CHUNK)],
                    idx_v.at[b], i_sems[b])
        for c in range(max(0, NCHUNK - NBUF), NCHUNK):
            out_cps[c % NBUF].wait()

    return _sc_gather



def _head_body(p_ref, w_ref, b_ref, g_ref, be_ref, o_ref):
    p = p_ref[...]
    y = lax.dot_general(p, w_ref[...], (((1,), (1,)), ((), ())),
                        preferred_element_type=jnp.float32)
    y = y + b_ref[...]
    mu = jnp.mean(y, axis=0, keepdims=True)
    var = jnp.mean((y - mu) ** 2, axis=0, keepdims=True)
    y = (y - mu) / jnp.sqrt(var + 1e-5) * g_ref[...] + be_ref[...]
    mu2 = jnp.mean(y, axis=1, keepdims=True)
    var2 = jnp.mean((y - mu2) ** 2, axis=1, keepdims=True)
    o_ref[...] = (y - mu2) / jnp.sqrt(var2 + 1e-5)


def _head(pooled, W, b, gamma, beta):
    return pl.pallas_call(
        _head_body,
        out_shape=jax.ShapeDtypeStruct((B, F), jnp.float32),
    )(pooled, W, b.reshape(1, F), gamma.reshape(1, F), beta.reshape(1, F))



def kernel(x, emb, W, b, gamma, beta):
    s = _row_means(emb)
    pooled = _sc_gather_fn()(s, x.reshape(-1))
    return _head(pooled.reshape(B, L), W, b, gamma, beta)

# --- scband reference (transcript-rebuilt; emitter-appended) ---
"""Pipeline reference for scband-triplet-model-23837068493057 (READ-ONLY COPY).

The authoritative reference and input builder live on the scoring server;
editing this copy changes nothing except your own understanding.
"""

import jax, jax.numpy as jnp
import numpy as np

B = 4096
L = 128  # must equal num_features due to Linear after pooling over feature dim
V = 100000  # 'embedding_dim' init arg = num_embeddings
F = 128     # 'num_features' init arg = embedding vector size


def setup_inputs(seed: int = 0) -> dict:
    key = jax.random.key(seed)
    k1, k2, k3 = jax.random.split(key, 3)
    x = jax.random.randint(k1, (B, L), 0, V, dtype=jnp.int32)
    # nn.Embedding default init: N(0,1); padding_idx=0 row zeroed
    emb = jax.random.normal(k2, (V, F), dtype=jnp.float32)
    emb = emb.at[0].set(0.0)
    # nn.Linear default init ~ U(-1/sqrt(F), 1/sqrt(F))
    W = (jax.random.uniform(k3, (F, F), dtype=jnp.float32) * 2.0 - 1.0) / np.sqrt(F)
    b = jnp.zeros((F,), dtype=jnp.float32)
    gamma = jnp.ones((F,), dtype=jnp.float32)  # BatchNorm1d weight
    beta = jnp.zeros((F,), dtype=jnp.float32)  # BatchNorm1d bias
    return {"x": x, "emb": emb, "W": W, "b": b, "gamma": gamma, "beta": beta}


def reference(x, emb, W, b, gamma, beta):
    # enforce padding_idx=0 semantics (row 0 is zero)
    table = emb.at[0].set(0.0)
    # embedding lookup: [B, L] -> [B, L, F]
    e = jnp.take(table, x, axis=0)
    # AdaptiveAvgPool1d((1,)) on [B, L, F] pools over last dim -> [B, L, 1]; Flatten -> [B, L]
    pooled = jnp.mean(e, axis=-1)
    # Linear(F, F): requires L == F
    y = pooled @ W.T + b
    # BatchNorm1d in training mode: biased variance over batch dim, affine
    mu = jnp.mean(y, axis=0)
    var = jnp.var(y, axis=0)
    y = (y - mu) / jnp.sqrt(var + 1e-5) * gamma + beta
    # InstanceNorm1d on 2D input [B, F] -> treated as unbatched (C=B, L=F):
    # per-row normalization over feature dim, no affine
    mu2 = jnp.mean(y, axis=1, keepdims=True)
    var2 = jnp.var(y, axis=1, keepdims=True)
    y = (y - mu2) / jnp.sqrt(var2 + 1e-5)
    return y

if __name__ == "__main__":
    import jax
    _d = setup_inputs()
    print(jax.jit(kernel)(*tuple(_d.values())))

</pallas_src>

<mosaic_0001>
#map = affine_map<(d0, d1) -> (0)>
module attributes {stable_mosaic.version = 14 : i64} {
  func.func @_sc_gather(%arg0: i32, %arg1: i32, %arg2: memref<53248xi32, #tpu.memory_space<hbm>>, %arg3: memref<524288xi32, #tpu.memory_space<hbm>>, %arg4: memref<524288xf32, #tpu.memory_space<hbm>>, %arg5: memref<53248xi32, #tpu.memory_space<vmem>>, %arg6: memref<2x8192xi32, #tpu.memory_space<vmem>>, %arg7: memref<2x8192xf32, #tpu.memory_space<vmem>>, %arg8: memref<!tpu.dma_semaphore, #tpu.memory_space<semaphore_mem>>, %arg9: memref<!tpu.dma_semaphore, #tpu.memory_space<semaphore_mem>>, %arg10: memref<!tpu.dma_semaphore, #tpu.memory_space<semaphore_mem>>, %arg11: memref<!tpu.dma_semaphore, #tpu.memory_space<semaphore_mem>>, %arg12: memref<!tpu.dma_semaphore, #tpu.memory_space<semaphore_mem>>) attributes {dimension_semantics = [#tpu.dimension_semantics<core_parallel>, #tpu.dimension_semantics<subcore_parallel>], iteration_bounds = array<i64: 2, 16>, scalar_prefetch = 0 : i64, scratch_operands = 8 : i64, tpu.core_type = #tpu.core_type<sc_vector_subcore>, window_params = [{transform_indices = #map}, {transform_indices = #map}, {transform_indices = #map}]} {
    %mul3A = arith.constant 2 : i32
    %mul3A_0 = arith.muli %arg1, %mul3A : i32
    %add3A = arith.addi %mul3A_0, %arg0 : i32
    %mul3A_1 = arith.constant 16384 : i32
    %mul3A_2 = arith.muli %add3A, %mul3A_1 : i32
    tpu.enqueue_dma source(%arg2 : memref<53248xi32, #tpu.memory_space<hbm>>) target(%arg5 : memref<53248xi32, #tpu.memory_space<vmem>>) target_semaphore(%arg8 : memref<!tpu.dma_semaphore, #tpu.memory_space<semaphore_mem>>)
    %add3A_3 = arith.constant 0 : i32
    %add3A_4 = arith.addi %mul3A_2, %add3A_3 : i32
    %dma_start3A = arith.constant 0 : i32
    %dma_start3A_5 = arith.constant 0 : i32
    %dma_start3A_6 = tpu.memref_slice %arg6[%dma_start3A, %dma_start3A_5] : memref<2x8192xi32, #tpu.memory_space<vmem>> -> memref<1x8192xi32, #tpu.memory_space<vmem>>
    %dma_start3A_7 = tpu.memref_squeeze %dma_start3A_6 : memref<1x8192xi32, #tpu.memory_space<vmem>> -> memref<8192xi32, #tpu.memory_space<vmem>>
    %dma_start3A_8 = tpu.memref_slice %arg3[%add3A_4] : memref<524288xi32, #tpu.memory_space<hbm>> -> memref<8192xi32, #tpu.memory_space<hbm>>
    %dma_start3A_9 = arith.constant 0 : i32
    %dma_start3A_10 = tpu.memref_slice %arg6[%dma_start3A, %dma_start3A_9] : memref<2x8192xi32, #tpu.memory_space<vmem>> -> memref<1x8192xi32, #tpu.memory_space<vmem>>
    %dma_start3A_11 = tpu.memref_squeeze %dma_start3A_10 : memref<1x8192xi32, #tpu.memory_space<vmem>> -> memref<8192xi32, #tpu.memory_space<vmem>>
    %dma_start3A_12 = tpu.memref_slice %arg3[%add3A_4] : memref<524288xi32, #tpu.memory_space<hbm>> -> memref<8192xi32, #tpu.memory_space<hbm>>
    tpu.enqueue_dma source(%dma_start3A_12 : memref<8192xi32, #tpu.memory_space<hbm>>) target(%dma_start3A_11 : memref<8192xi32, #tpu.memory_space<vmem>>) target_semaphore(%arg9 : memref<!tpu.dma_semaphore, #tpu.memory_space<semaphore_mem>>)
    %add3A_13 = arith.constant 8192 : i32
    %add3A_14 = arith.addi %mul3A_2, %add3A_13 : i32
    %dma_start3A_15 = arith.constant 1 : i32
    %dma_start3A_16 = arith.constant 0 : i32
    %dma_start3A_17 = tpu.memref_slice %arg6[%dma_start3A_15, %dma_start3A_16] : memref<2x8192xi32, #tpu.memory_space<vmem>> -> memref<1x8192xi32, #tpu.memory_space<vmem>>
    %dma_start3A_18 = tpu.memref_squeeze %dma_start3A_17 : memref<1x8192xi32, #tpu.memory_space<vmem>> -> memref<8192xi32, #tpu.memory_space<vmem>>
    %dma_start3A_19 = tpu.memref_slice %arg3[%add3A_14] : memref<524288xi32, #tpu.memory_space<hbm>> -> memref<8192xi32, #tpu.memory_space<hbm>>
    %dma_start3A_20 = arith.constant 0 : i32
    %dma_start3A_21 = tpu.memref_slice %arg6[%dma_start3A_15, %dma_start3A_20] : memref<2x8192xi32, #tpu.memory_space<vmem>> -> memref<1x8192xi32, #tpu.memory_space<vmem>>
    %dma_start3A_22 = tpu.memref_squeeze %dma_start3A_21 : memref<1x8192xi32, #tpu.memory_space<vmem>> -> memref<8192xi32, #tpu.memory_space<vmem>>
    %dma_start3A_23 = tpu.memref_slice %arg3[%add3A_14] : memref<524288xi32, #tpu.memory_space<hbm>> -> memref<8192xi32, #tpu.memory_space<hbm>>
    tpu.enqueue_dma source(%dma_start3A_23 : memref<8192xi32, #tpu.memory_space<hbm>>) target(%dma_start3A_22 : memref<8192xi32, #tpu.memory_space<vmem>>) target_semaphore(%arg10 : memref<!tpu.dma_semaphore, #tpu.memory_space<semaphore_mem>>)
    tpu.wait_dma2 semaphore(%arg8 : memref<!tpu.dma_semaphore, #tpu.memory_space<semaphore_mem>>) src(%arg2 : memref<53248xi32, #tpu.memory_space<hbm>>) dst(%arg5 : memref<53248xi32, #tpu.memory_space<vmem>>)
    %dma_wait3A = arith.constant 0 : i32
    %dma_wait3A_24 = arith.constant 0 : i32
    %dma_wait3A_25 = tpu.memref_slice %arg6[%dma_wait3A, %dma_wait3A_24] : memref<2x8192xi32, #tpu.memory_space<vmem>> -> memref<1x8192xi32, #tpu.memory_space<vmem>>
    %dma_wait3A_26 = tpu.memref_squeeze %dma_wait3A_25 : memref<1x8192xi32, #tpu.memory_space<vmem>> -> memref<8192xi32, #tpu.memory_space<vmem>>
    %dma_wait3A_27 = tpu.memref_slice %arg3[%add3A_4] : memref<524288xi32, #tpu.memory_space<hbm>> -> memref<8192xi32, #tpu.memory_space<hbm>>
    %dma_wait3A_28 = arith.constant 0 : i32
    %dma_wait3A_29 = tpu.memref_slice %arg6[%dma_wait3A, %dma_wait3A_28] : memref<2x8192xi32, #tpu.memory_space<vmem>> -> memref<1x8192xi32, #tpu.memory_space<vmem>>
    %dma_wait3A_30 = tpu.memref_squeeze %dma_wait3A_29 : memref<1x8192xi32, #tpu.memory_space<vmem>> -> memref<8192xi32, #tpu.memory_space<vmem>>
    %dma_wait3A_31 = tpu.memref_slice %arg3[%add3A_4] : memref<524288xi32, #tpu.memory_space<hbm>> -> memref<8192xi32, #tpu.memory_space<hbm>>
    tpu.wait_dma2 semaphore(%arg9 : memref<!tpu.dma_semaphore, #tpu.memory_space<semaphore_mem>>) src(%dma_wait3A_31 : memref<8192xi32, #tpu.memory_space<hbm>>) dst(%dma_wait3A_30 : memref<8192xi32, #tpu.memory_space<vmem>>)
    %parallel_loop3A = arith.constant 0 : i32
    %parallel_loop3A_32 = arith.constant 512 : i32
    %parallel_loop3A_33 = arith.constant 1 : i32
    scf.for %parallel_loop3A_86 = %parallel_loop3A to %parallel_loop3A_32 step %parallel_loop3A_33  : i32 {
      %parallel_loop3A_87 = arith.constant 16 : i32
      %parallel_loop3A_88 = arith.muli %parallel_loop3A_86, %parallel_loop3A_87 : i32
      %parallel_loop3A_89 = arith.constant 0 : i32
      %parallel_loop3A_90 = arith.index_cast %parallel_loop3A_89 : i32 to index
      %parallel_loop3A_91 = arith.index_cast %parallel_loop3A_88 : i32 to index
      %parallel_loop3A_92 = tpu.vector_load %arg6[%parallel_loop3A_90, %parallel_loop3A_91] {strides = array<i32>} : memref<2x8192xi32, #tpu.memory_space<vmem>>, vector<16xi32>,
      %parallel_loop3A_93 = arith.constant 53248 : i32
      %parallel_loop3A_94 = vector.broadcast %parallel_loop3A_93 : i32 to vector<16xi32>
      %parallel_loop3A_95 = arith.cmpi sge, %parallel_loop3A_92, %parallel_loop3A_94 : vector<16xi32>
      %parallel_loop3A_96 = arith.constant 53248 : i32
      %parallel_loop3A_97 = arith.constant 0 : i32
      %parallel_loop3A_98 = vector.broadcast %parallel_loop3A_96 : i32 to vector<16xi32>
      %parallel_loop3A_99 = vector.broadcast %parallel_loop3A_97 : i32 to vector<16xi32>
      %parallel_loop3A_100 = arith.select %parallel_loop3A_95, %parallel_loop3A_98, %parallel_loop3A_99 : vector<16xi1>, vector<16xi32>
      %parallel_loop3A_101 = arith.subi %parallel_loop3A_92, %parallel_loop3A_100 : vector<16xi32>
      %parallel_loop3A_102 = tpu.vector_load_idx %arg5[%parallel_loop3A_101] : memref<53248xi32, #tpu.memory_space<vmem>>[vector<16xi32>], vector<16xi32>,
      %parallel_loop3A_103 = arith.constant 16 : i32
      %parallel_loop3A_104 = vector.broadcast %parallel_loop3A_103 : i32 to vector<16xi32>
      %parallel_loop3A_105 = arith.shli %parallel_loop3A_102, %parallel_loop3A_104 : vector<16xi32>
      %parallel_loop3A_106 = arith.constant -65536 : i32
      %parallel_loop3A_107 = vector.broadcast %parallel_loop3A_106 : i32 to vector<16xi32>
      %parallel_loop3A_108 = arith.andi %parallel_loop3A_102, %parallel_loop3A_107 : vector<16xi32>
      %parallel_loop3A_109 = arith.select %parallel_loop3A_95, %parallel_loop3A_108, %parallel_loop3A_105 : vector<16xi1>, vector<16xi32>
      %parallel_loop3A_110 = vector.bitcast %parallel_loop3A_109 : vector<16xi32> to vector<16xf32>
      %parallel_loop3A_111 = arith.constant 0 : i32
      %parallel_loop3A_112 = arith.index_cast %parallel_loop3A_111 : i32 to index
      %parallel_loop3A_113 = arith.index_cast %parallel_loop3A_88 : i32 to index
      %parallel_loop3A_114 = tpu.vector_load %arg7[%parallel_loop3A_112, %parallel_loop3A_113] {strides = array<i32>} : memref<2x8192xf32, #tpu.memory_space<vmem>>, vector<16xf32>,
      tpu.vector_store %arg7[%parallel_loop3A_112, %parallel_loop3A_113], %parallel_loop3A_110 {strides = array<i32>} : memref<2x8192xf32, #tpu.memory_space<vmem>>, vector<16xf32>,
    } {sc.loop_unroll_factor = 16 : i64, sc.parallel_access}
    %add3A_34 = arith.constant 0 : i32
    %add3A_35 = arith.addi %mul3A_2, %add3A_34 : i32
    %dma_start3A_36 = arith.constant 0 : i32
    %dma_start3A_37 = arith.constant 0 : i32
    %dma_start3A_38 = tpu.memref_slice %arg7[%dma_start3A_36, %dma_start3A_37] : memref<2x8192xf32, #tpu.memory_space<vmem>> -> memref<1x8192xf32, #tpu.memory_space<vmem>>
    %dma_start3A_39 = tpu.memref_squeeze %dma_start3A_38 : memref<1x8192xf32, #tpu.memory_space<vmem>> -> memref<8192xf32, #tpu.memory_space<vmem>>
    %dma_start3A_40 = tpu.memref_slice %arg4[%add3A_35] : memref<524288xf32, #tpu.memory_space<hbm>> -> memref<8192xf32, #tpu.memory_space<hbm>>
    %dma_start3A_41 = tpu.memref_slice %arg4[%add3A_35] : memref<524288xf32, #tpu.memory_space<hbm>> -> memref<8192xf32, #tpu.memory_space<hbm>>
    %dma_start3A_42 = arith.constant 0 : i32
    %dma_start3A_43 = tpu.memref_slice %arg7[%dma_start3A_36, %dma_start3A_42] : memref<2x8192xf32, #tpu.memory_space<vmem>> -> memref<1x8192xf32, #tpu.memory_space<vmem>>
    %dma_start3A_44 = tpu.memref_squeeze %dma_start3A_43 : memref<1x8192xf32, #tpu.memory_space<vmem>> -> memref<8192xf32, #tpu.memory_space<vmem>>
    tpu.enqueue_dma source(%dma_start3A_44 : memref<8192xf32, #tpu.memory_space<vmem>>) target(%dma_start3A_41 : memref<8192xf32, #tpu.memory_space<hbm>>) target_semaphore(%arg11 : memref<!tpu.dma_semaphore, #tpu.memory_space<semaphore_mem>>)
    %dma_wait3A_45 = arith.constant 1 : i32
    %dma_wait3A_46 = arith.constant 0 : i32
    %dma_wait3A_47 = tpu.memref_slice %arg6[%dma_wait3A_45, %dma_wait3A_46] : memref<2x8192xi32, #tpu.memory_space<vmem>> -> memref<1x8192xi32, #tpu.memory_space<vmem>>
    %dma_wait3A_48 = tpu.memref_squeeze %dma_wait3A_47 : memref<1x8192xi32, #tpu.memory_space<vmem>> -> memref<8192xi32, #tpu.memory_space<vmem>>
    %dma_wait3A_49 = tpu.memref_slice %arg3[%add3A_14] : memref<524288xi32, #tpu.memory_space<hbm>> -> memref<8192xi32, #tpu.memory_space<hbm>>
    %dma_wait3A_50 = arith.constant 0 : i32
    %dma_wait3A_51 = tpu.memref_slice %arg6[%dma_wait3A_45, %dma_wait3A_50] : memref<2x8192xi32, #tpu.memory_space<vmem>> -> memref<1x8192xi32, #tpu.memory_space<vmem>>
    %dma_wait3A_52 = tpu.memref_squeeze %dma_wait3A_51 : memref<1x8192xi32, #tpu.memory_space<vmem>> -> memref<8192xi32, #tpu.memory_space<vmem>>
    %dma_wait3A_53 = tpu.memref_slice %arg3[%add3A_14] : memref<524288xi32, #tpu.memory_space<hbm>> -> memref<8192xi32, #tpu.memory_space<hbm>>
    tpu.wait_dma2 semaphore(%arg10 : memref<!tpu.dma_semaphore, #tpu.memory_space<semaphore_mem>>) src(%dma_wait3A_53 : memref<8192xi32, #tpu.memory_space<hbm>>) dst(%dma_wait3A_52 : memref<8192xi32, #tpu.memory_space<vmem>>)
    %parallel_loop3A_54 = arith.constant 0 : i32
    %parallel_loop3A_55 = arith.constant 512 : i32
    %parallel_loop3A_56 = arith.constant 1 : i32
    scf.for %parallel_loop3A_86 = %parallel_loop3A_54 to %parallel_loop3A_55 step %parallel_loop3A_56  : i32 {
      %parallel_loop3A_87 = arith.constant 16 : i32
      %parallel_loop3A_88 = arith.muli %parallel_loop3A_86, %parallel_loop3A_87 : i32
      %parallel_loop3A_89 = arith.constant 1 : i32
      %parallel_loop3A_90 = arith.index_cast %parallel_loop3A_89 : i32 to index
      %parallel_loop3A_91 = arith.index_cast %parallel_loop3A_88 : i32 to index
      %parallel_loop3A_92 = tpu.vector_load %arg6[%parallel_loop3A_90, %parallel_loop3A_91] {strides = array<i32>} : memref<2x8192xi32, #tpu.memory_space<vmem>>, vector<16xi32>,
      %parallel_loop3A_93 = arith.constant 53248 : i32
      %parallel_loop3A_94 = vector.broadcast %parallel_loop3A_93 : i32 to vector<16xi32>
      %parallel_loop3A_95 = arith.cmpi sge, %parallel_loop3A_92, %parallel_loop3A_94 : vector<16xi32>
      %parallel_loop3A_96 = arith.constant 53248 : i32
      %parallel_loop3A_97 = arith.constant 0 : i32
      %parallel_loop3A_98 = vector.broadcast %parallel_loop3A_96 : i32 to vector<16xi32>
      %parallel_loop3A_99 = vector.broadcast %parallel_loop3A_97 : i32 to vector<16xi32>
      %parallel_loop3A_100 = arith.select %parallel_loop3A_95, %parallel_loop3A_98, %parallel_loop3A_99 : vector<16xi1>, vector<16xi32>
      %parallel_loop3A_101 = arith.subi %parallel_loop3A_92, %parallel_loop3A_100 : vector<16xi32>
      %parallel_loop3A_102 = tpu.vector_load_idx %arg5[%parallel_loop3A_101] : memref<53248xi32, #tpu.memory_space<vmem>>[vector<16xi32>], vector<16xi32>,
      %parallel_loop3A_103 = arith.constant 16 : i32
      %parallel_loop3A_104 = vector.broadcast %parallel_loop3A_103 : i32 to vector<16xi32>
      %parallel_loop3A_105 = arith.shli %parallel_loop3A_102, %parallel_loop3A_104 : vector<16xi32>
      %parallel_loop3A_106 = arith.constant -65536 : i32
      %parallel_loop3A_107 = vector.broadcast %parallel_loop3A_106 : i32 to vector<16xi32>
      %parallel_loop3A_108 = arith.andi %parallel_loop3A_102, %parallel_loop3A_107 : vector<16xi32>
      %parallel_loop3A_109 = arith.select %parallel_loop3A_95, %parallel_loop3A_108, %parallel_loop3A_105 : vector<16xi1>, vector<16xi32>
      %parallel_loop3A_110 = vector.bitcast %parallel_loop3A_109 : vector<16xi32> to vector<16xf32>
      %parallel_loop3A_111 = arith.constant 1 : i32
      %parallel_loop3A_112 = arith.index_cast %parallel_loop3A_111 : i32 to index
      %parallel_loop3A_113 = arith.index_cast %parallel_loop3A_88 : i32 to index
      %parallel_loop3A_114 = tpu.vector_load %arg7[%parallel_loop3A_112, %parallel_loop3A_113] {strides = array<i32>} : memref<2x8192xf32, #tpu.memory_space<vmem>>, vector<16xf32>,
      tpu.vector_store %arg7[%parallel_loop3A_112, %parallel_loop3A_113], %parallel_loop3A_110 {strides = array<i32>} : memref<2x8192xf32, #tpu.memory_space<vmem>>, vector<16xf32>,
    } {sc.loop_unroll_factor = 16 : i64, sc.parallel_access}
    %add3A_57 = arith.constant 8192 : i32
    %add3A_58 = arith.addi %mul3A_2, %add3A_57 : i32
    %dma_start3A_59 = arith.constant 1 : i32
    %dma_start3A_60 = arith.constant 0 : i32
    %dma_start3A_61 = tpu.memref_slice %arg7[%dma_start3A_59, %dma_start3A_60] : memref<2x8192xf32, #tpu.memory_space<vmem>> -> memref<1x8192xf32, #tpu.memory_space<vmem>>
    %dma_start3A_62 = tpu.memref_squeeze %dma_start3A_61 : memref<1x8192xf32, #tpu.memory_space<vmem>> -> memref<8192xf32, #tpu.memory_space<vmem>>
    %dma_start3A_63 = tpu.memref_slice %arg4[%add3A_58] : memref<524288xf32, #tpu.memory_space<hbm>> -> memref<8192xf32, #tpu.memory_space<hbm>>
    %dma_start3A_64 = tpu.memref_slice %arg4[%add3A_58] : memref<524288xf32, #tpu.memory_space<hbm>> -> memref<8192xf32, #tpu.memory_space<hbm>>
    %dma_start3A_65 = arith.constant 0 : i32
    %dma_start3A_66 = tpu.memref_slice %arg7[%dma_start3A_59, %dma_start3A_65] : memref<2x8192xf32, #tpu.memory_space<vmem>> -> memref<1x8192xf32, #tpu.memory_space<vmem>>
    %dma_start3A_67 = tpu.memref_squeeze %dma_start3A_66 : memref<1x8192xf32, #tpu.memory_space<vmem>> -> memref<8192xf32, #tpu.memory_space<vmem>>
    tpu.enqueue_dma source(%dma_start3A_67 : memref<8192xf32, #tpu.memory_space<vmem>>) target(%dma_start3A_64 : memref<8192xf32, #tpu.memory_space<hbm>>) target_semaphore(%arg12 : memref<!tpu.dma_semaphore, #tpu.memory_space<semaphore_mem>>)
    %dma_wait3A_68 = arith.constant 0 : i32
    %dma_wait3A_69 = arith.constant 0 : i32
    %dma_wait3A_70 = tpu.memref_slice %arg7[%dma_wait3A_68, %dma_wait3A_69] : memref<2x8192xf32, #tpu.memory_space<vmem>> -> memref<1x8192xf32, #tpu.memory_space<vmem>>
    %dma_wait3A_71 = tpu.memref_squeeze %dma_wait3A_70 : memref<1x8192xf32, #tpu.memory_space<vmem>> -> memref<8192xf32, #tpu.memory_space<vmem>>
    %dma_wait3A_72 = tpu.memref_slice %arg4[%add3A_35] : memref<524288xf32, #tpu.memory_space<hbm>> -> memref<8192xf32, #tpu.memory_space<hbm>>
    %dma_wait3A_73 = tpu.memref_slice %arg4[%add3A_35] : memref<524288xf32, #tpu.memory_space<hbm>> -> memref<8192xf32, #tpu.memory_space<hbm>>
    %dma_wait3A_74 = arith.constant 0 : i32
    %dma_wait3A_75 = tpu.memref_slice %arg7[%dma_wait3A_68, %dma_wait3A_74] : memref<2x8192xf32, #tpu.memory_space<vmem>> -> memref<1x8192xf32, #tpu.memory_space<vmem>>
    %dma_wait3A_76 = tpu.memref_squeeze %dma_wait3A_75 : memref<1x8192xf32, #tpu.memory_space<vmem>> -> memref<8192xf32, #tpu.memory_space<vmem>>
    tpu.wait_dma2 semaphore(%arg11 : memref<!tpu.dma_semaphore, #tpu.memory_space<semaphore_mem>>) src(%dma_wait3A_76 : memref<8192xf32, #tpu.memory_space<vmem>>) dst(%dma_wait3A_73 : memref<8192xf32, #tpu.memory_space<hbm>>)
    %dma_wait3A_77 = arith.constant 1 : i32
    %dma_wait3A_78 = arith.constant 0 : i32
    %dma_wait3A_79 = tpu.memref_slice %arg7[%dma_wait3A_77, %dma_wait3A_78] : memref<2x8192xf32, #tpu.memory_space<vmem>> -> memref<1x8192xf32, #tpu.memory_space<vmem>>
    %dma_wait3A_80 = tpu.memref_squeeze %dma_wait3A_79 : memref<1x8192xf32, #tpu.memory_space<vmem>> -> memref<8192xf32, #tpu.memory_space<vmem>>
    %dma_wait3A_81 = tpu.memref_slice %arg4[%add3A_58] : memref<524288xf32, #tpu.memory_space<hbm>> -> memref<8192xf32, #tpu.memory_space<hbm>>
    %dma_wait3A_82 = tpu.memref_slice %arg4[%add3A_58] : memref<524288xf32, #tpu.memory_space<hbm>> -> memref<8192xf32, #tpu.memory_space<hbm>>
    %dma_wait3A_83 = arith.constant 0 : i32
    %dma_wait3A_84 = tpu.memref_slice %arg7[%dma_wait3A_77, %dma_wait3A_83] : memref<2x8192xf32, #tpu.memory_space<vmem>> -> memref<1x8192xf32, #tpu.memory_space<vmem>>
    %dma_wait3A_85 = tpu.memref_squeeze %dma_wait3A_84 : memref<1x8192xf32, #tpu.memory_space<vmem>> -> memref<8192xf32, #tpu.memory_space<vmem>>
    tpu.wait_dma2 semaphore(%arg12 : memref<!tpu.dma_semaphore, #tpu.memory_space<semaphore_mem>>) src(%dma_wait3A_85 : memref<8192xf32, #tpu.memory_space<vmem>>) dst(%dma_wait3A_82 : memref<8192xf32, #tpu.memory_space<hbm>>)
    return
  }
}

module attributes {stable_mosaic.version = 14 : i64} {
  func.func @_rowmean_body(%arg0: i32, %arg1: memref<4096x128xf32, #tpu.memory_space<vmem>>, %arg2: memref<4096x128xf32, #tpu.memory_space<vmem>>, %arg3: memref<32x128xi32, #tpu.memory_space<vmem>>) attributes {dimension_semantics = [#tpu.dimension_semantics<arbitrary>], iteration_bounds = array<i64: 13>, scalar_prefetch = 0 : i64, scratch_operands = 0 : i64, tpu.core_type = #tpu.core_type<tc>, window_params = [{transform_indices = @transform_0, window_bounds = array<i64: 4096, 128>}, {transform_indices = @transform_1, window_bounds = array<i64: 4096, 128>}, {transform_indices = @transform_2, window_bounds = array<i64: 32, 128>}]} {
    %broadcast_in_dim3A = arith.constant 7.812500e-03 : f32
    %broadcast_in_dim3A_0 = vector.broadcast %broadcast_in_dim3A : f32 to vector<128xf32>
    %get3A = arith.constant 0 : index
    %get3A_1 = arith.constant 0 : index
    %get3A_2 = vector.load %arg1[%get3A, %get3A_1] : memref<4096x128xf32, #tpu.memory_space<vmem>>, vector<4096x128xf32>
    %reshape3A = vector.shape_cast %get3A_2 : vector<4096x128xf32> to vector<32x128x128xf32>
    %dot_general3A = arith.constant dense<0.000000e+00> : vector<32x128xf32>
    %dot_general3A_3 = tpu.matmul %reshape3A, %broadcast_in_dim3A_0, %dot_general3A {dimension_numbers = #tpu.dot_dimension_numbers<[2], [0], [0, 1], [], [0, 0, 0, 1], [], []>, transpose_lhs_hint = false} : vector<32x128x128xf32>, vector<128xf32>, vector<32x128xf32> -> vector<32x128xf32>
    %get3A_4 = arith.constant 0 : index
    %get3A_5 = arith.constant 0 : index
    %get3A_6 = vector.load %arg2[%get3A_4, %get3A_5] : memref<4096x128xf32, #tpu.memory_space<vmem>>, vector<4096x128xf32>
    %reshape3A_7 = vector.shape_cast %get3A_6 : vector<4096x128xf32> to vector<32x128x128xf32>
    %dot_general3A_8 = arith.constant dense<0.000000e+00> : vector<32x128xf32>
    %dot_general3A_9 = tpu.matmul %reshape3A_7, %broadcast_in_dim3A_0, %dot_general3A_8 {dimension_numbers = #tpu.dot_dimension_numbers<[2], [0], [0, 1], [], [0, 0, 0, 1], [], []>, transpose_lhs_hint = false} : vector<32x128x128xf32>, vector<128xf32>, vector<32x128xf32> -> vector<32x128xf32>
    %eq3A = arith.constant 0 : i32
    %eq3A_10 = arith.cmpi eq, %arg0, %eq3A : i32
    %iota3A = tpu.iota {dimensions = array<i32: 0>} : vector<32x128xi32>
    %iota3A_11 = tpu.iota {dimensions = array<i32: 1>} : vector<32x128xi32>
    %add3A = arith.addi %iota3A, %iota3A_11 : vector<32x128xi32>
    %eq3A_12 = arith.constant 0 : i32
    %eq3A_13 = vector.broadcast %eq3A_12 : i32 to vector<32x128xi32>
    %eq3A_14 = arith.cmpi eq, %add3A, %eq3A_13 : vector<32x128xi32>
    %and3A = vector.broadcast %eq3A_10 : i1 to vector<32x128xi1>
    %and3A_15 = arith.andi %and3A, %eq3A_14 : vector<32x128xi1>
    %jit3A = arith.constant 0.000000e+00 : f32
    %broadcast_in_dim3A_16 = vector.broadcast %jit3A : f32 to vector<32x128xf32>
    %select_n3A = arith.select %and3A_15, %broadcast_in_dim3A_16, %dot_general3A_3 : vector<32x128xi1>, vector<32x128xf32>
    %bitcast_convert_type3A = tpu.bitcast %select_n3A : vector<32x128xf32> -> vector<32x128xi32>
    %add3A_17 = arith.constant 32767 : i32
    %add3A_18 = vector.broadcast %add3A_17 : i32 to vector<32x128xi32>
    %add3A_19 = arith.addi %bitcast_convert_type3A, %add3A_18 : vector<32x128xi32>
    %shift_right_logical3A = arith.constant 16 : i32
    %shift_right_logical3A_20 = vector.broadcast %shift_right_logical3A : i32 to vector<32x128xi32>
    %shift_right_logical3A_21 = arith.shrui %bitcast_convert_type3A, %shift_right_logical3A_20 : vector<32x128xi32>
    %and3A_22 = arith.constant 1 : i32
    %and3A_23 = vector.broadcast %and3A_22 : i32 to vector<32x128xi32>
    %and3A_24 = arith.andi %shift_right_logical3A_21, %and3A_23 : vector<32x128xi32>
    %add3A_25 = arith.addi %add3A_19, %and3A_24 : vector<32x128xi32>
    %shift_right_logical3A_26 = arith.constant 16 : i32
    %shift_right_logical3A_27 = vector.broadcast %shift_right_logical3A_26 : i32 to vector<32x128xi32>
    %shift_right_logical3A_28 = arith.shrui %add3A_25, %shift_right_logical3A_27 : vector<32x128xi32>
    %bitcast_convert_type3A_29 = tpu.bitcast %dot_general3A_9 : vector<32x128xf32> -> vector<32x128xi32>
    %add3A_30 = arith.constant 32767 : i32
    %add3A_31 = vector.broadcast %add3A_30 : i32 to vector<32x128xi32>
    %add3A_32 = arith.addi %bitcast_convert_type3A_29, %add3A_31 : vector<32x128xi32>
    %shift_right_logical3A_33 = arith.constant 16 : i32
    %shift_right_logical3A_34 = vector.broadcast %shift_right_logical3A_33 : i32 to vector<32x128xi32>
    %shift_right_logical3A_35 = arith.shrui %bitcast_convert_type3A_29, %shift_right_logical3A_34 : vector<32x128xi32>
    %and3A_36 = arith.constant 1 : i32
    %and3A_37 = vector.broadcast %and3A_36 : i32 to vector<32x128xi32>
    %and3A_38 = arith.andi %shift_right_logical3A_35, %and3A_37 : vector<32x128xi32>
    %add3A_39 = arith.addi %add3A_32, %and3A_38 : vector<32x128xi32>
    %and3A_40 = arith.constant -65536 : i32
    %and3A_41 = vector.broadcast %and3A_40 : i32 to vector<32x128xi32>
    %and3A_42 = arith.andi %add3A_39, %and3A_41 : vector<32x128xi32>
    %or3A = arith.ori %shift_right_logical3A_28, %and3A_42 : vector<32x128xi32>
    %swap3A = arith.constant 0 : index
    %swap3A_43 = arith.constant 0 : index
    %swap3A_44 = vector.load %arg3[%swap3A, %swap3A_43] : memref<32x128xi32, #tpu.memory_space<vmem>>, vector<32x128xi32>
    tpu.vector_store %arg3[%swap3A, %swap3A_43], %or3A {strides = array<i32>} : memref<32x128xi32, #tpu.memory_space<vmem>>, vector<32x128xi32>,
    return
  }
  func.func @transform_0(%arg0: i32) -> (i32, i32) {
    %c0_i32 = arith.constant 0 : i32
    %c0_i32_0 = arith.constant 0 : i32
    return %arg0, %c0_i32 : i32, i32
  }
  func.func @transform_1(%arg0: i32) -> (i32, i32) {
    %add3A = arith.constant 13 : i32
    %add3A_0 = arith.addi %arg0, %add3A : i32
    %min3A = arith.constant 24 : i32
    %min3A_1 = arith.minsi %add3A_0, %min3A : i32
    %c0_i32 = arith.constant 0 : i32
    %c0_i32_2 = arith.constant 0 : i32
    return %min3A_1, %c0_i32 : i32, i32
  }
  func.func @transform_2(%arg0: i32) -> (i32, i32) {
    %c0_i32 = arith.constant 0 : i32
    %c0_i32_0 = arith.constant 0 : i32
    return %arg0, %c0_i32 : i32, i32
  }
}

module attributes {stable_mosaic.version = 14 : i64} {
  func.func @_head_body(%arg0: memref<4096x128xf32, #tpu.memory_space<vmem>>, %arg1: memref<128x128xf32, #tpu.memory_space<vmem>>, %arg2: memref<1x128xf32, #tpu.memory_space<vmem>>, %arg3: memref<1x128xf32, #tpu.memory_space<vmem>>, %arg4: memref<1x128xf32, #tpu.memory_space<vmem>>, %arg5: memref<4096x128xf32, #tpu.memory_space<vmem>>) attributes {dimension_semantics = [], scalar_prefetch = 0 : i64, scratch_operands = 0 : i64, tpu.core_type = #tpu.core_type<tc>} {
    %get3A = arith.constant 0 : index
    %get3A_0 = arith.constant 0 : index
    %get3A_1 = vector.load %arg0[%get3A, %get3A_0] : memref<4096x128xf32, #tpu.memory_space<vmem>>, vector<4096x128xf32>
    %get3A_2 = arith.constant 0 : index
    %get3A_3 = arith.constant 0 : index
    %get3A_4 = vector.load %arg1[%get3A_2, %get3A_3] : memref<128x128xf32, #tpu.memory_space<vmem>>, vector<128x128xf32>
    %dot_general3A = arith.constant dense<0.000000e+00> : vector<4096x128xf32>
    %dot_general3A_5 = tpu.matmul %get3A_1, %get3A_4, %dot_general3A {dimension_numbers = #tpu.dot_dimension_numbers<[1], [1], [0], [0], [0, 0, 1, 0], [], []>, transpose_lhs_hint = false} : vector<4096x128xf32>, vector<128x128xf32>, vector<4096x128xf32> -> vector<4096x128xf32>
    %get3A_6 = arith.constant 0 : index
    %get3A_7 = arith.constant 0 : index
    %get3A_8 = vector.load %arg2[%get3A_6, %get3A_7] : memref<1x128xf32, #tpu.memory_space<vmem>>, vector<1x128xf32>
    %add3A = vector.broadcast %get3A_8 : vector<1x128xf32> to vector<4096x128xf32>
    %add3A_9 = arith.addf %dot_general3A_5, %add3A : vector<4096x128xf32>
    %reduce_sum3A = arith.constant dense<0.000000e+00> : vector<128xf32>
    %reduce_sum3A_10 = vector.multi_reduction <add>, %add3A_9, %reduce_sum3A [0] : vector<4096x128xf32> to vector<128xf32>
    %broadcast_in_dim3A = vector.shape_cast %reduce_sum3A_10 : vector<128xf32> to vector<1x128xf32>
    %div3A = arith.constant 4.096000e+03 : f32
    %div3A_11 = vector.broadcast %div3A : f32 to vector<1x128xf32>
    %div3A_12 = arith.divf %broadcast_in_dim3A, %div3A_11 : vector<1x128xf32>
    %sub3A = vector.broadcast %div3A_12 : vector<1x128xf32> to vector<4096x128xf32>
    %sub3A_13 = arith.subf %add3A_9, %sub3A : vector<4096x128xf32>
    %integer_pow3A = arith.mulf %sub3A_13, %sub3A_13 : vector<4096x128xf32>
    %reduce_sum3A_14 = arith.constant dense<0.000000e+00> : vector<128xf32>
    %reduce_sum3A_15 = vector.multi_reduction <add>, %integer_pow3A, %reduce_sum3A_14 [0] : vector<4096x128xf32> to vector<128xf32>
    %broadcast_in_dim3A_16 = vector.shape_cast %reduce_sum3A_15 : vector<128xf32> to vector<1x128xf32>
    %div3A_17 = arith.constant 4.096000e+03 : f32
    %div3A_18 = vector.broadcast %div3A_17 : f32 to vector<1x128xf32>
    %div3A_19 = arith.divf %broadcast_in_dim3A_16, %div3A_18 : vector<1x128xf32>
    %sub3A_20 = vector.broadcast %div3A_12 : vector<1x128xf32> to vector<4096x128xf32>
    %sub3A_21 = arith.subf %add3A_9, %sub3A_20 : vector<4096x128xf32>
    %add3A_22 = arith.constant 9.99999974E-6 : f32
    %add3A_23 = vector.broadcast %add3A_22 : f32 to vector<1x128xf32>
    %add3A_24 = arith.addf %div3A_19, %add3A_23 : vector<1x128xf32>
    %sqrt3A = math.sqrt %add3A_24 : vector<1x128xf32>
    %div3A_25 = vector.broadcast %sqrt3A : vector<1x128xf32> to vector<4096x128xf32>
    %div3A_26 = arith.divf %sub3A_21, %div3A_25 : vector<4096x128xf32>
    %get3A_27 = arith.constant 0 : index
    %get3A_28 = arith.constant 0 : index
    %get3A_29 = vector.load %arg3[%get3A_27, %get3A_28] : memref<1x128xf32, #tpu.memory_space<vmem>>, vector<1x128xf32>
    %mul3A = vector.broadcast %get3A_29 : vector<1x128xf32> to vector<4096x128xf32>
    %mul3A_30 = arith.mulf %div3A_26, %mul3A : vector<4096x128xf32>
    %get3A_31 = arith.constant 0 : index
    %get3A_32 = arith.constant 0 : index
    %get3A_33 = vector.load %arg4[%get3A_31, %get3A_32] : memref<1x128xf32, #tpu.memory_space<vmem>>, vector<1x128xf32>
    %add3A_34 = vector.broadcast %get3A_33 : vector<1x128xf32> to vector<4096x128xf32>
    %add3A_35 = arith.addf %mul3A_30, %add3A_34 : vector<4096x128xf32>
    %reduce_sum3A_36 = arith.constant dense<0.000000e+00> : vector<4096xf32>
    %reduce_sum3A_37 = vector.multi_reduction <add>, %add3A_35, %reduce_sum3A_36 [1] : vector<4096x128xf32> to vector<4096xf32>
    %broadcast_in_dim3A_38 = vector.shape_cast %reduce_sum3A_37 : vector<4096xf32> to vector<4096x1xf32>
    %div3A_39 = arith.constant 1.280000e+02 : f32
    %div3A_40 = vector.broadcast %div3A_39 : f32 to vector<4096x1xf32>
    %div3A_41 = arith.divf %broadcast_in_dim3A_38, %div3A_40 : vector<4096x1xf32>
    %sub3A_42 = vector.broadcast %div3A_41 : vector<4096x1xf32> to vector<4096x128xf32>
    %sub3A_43 = arith.subf %add3A_35, %sub3A_42 : vector<4096x128xf32>
    %integer_pow3A_44 = arith.mulf %sub3A_43, %sub3A_43 : vector<4096x128xf32>
    %reduce_sum3A_45 = arith.constant dense<0.000000e+00> : vector<4096xf32>
    %reduce_sum3A_46 = vector.multi_reduction <add>, %integer_pow3A_44, %reduce_sum3A_45 [1] : vector<4096x128xf32> to vector<4096xf32>
    %broadcast_in_dim3A_47 = vector.shape_cast %reduce_sum3A_46 : vector<4096xf32> to vector<4096x1xf32>
    %div3A_48 = arith.constant 1.280000e+02 : f32
    %div3A_49 = vector.broadcast %div3A_48 : f32 to vector<4096x1xf32>
    %div3A_50 = arith.divf %broadcast_in_dim3A_47, %div3A_49 : vector<4096x1xf32>
    %sub3A_51 = vector.broadcast %div3A_41 : vector<4096x1xf32> to vector<4096x128xf32>
    %sub3A_52 = arith.subf %add3A_35, %sub3A_51 : vector<4096x128xf32>
    %add3A_53 = arith.constant 9.99999974E-6 : f32
    %add3A_54 = vector.broadcast %add3A_53 : f32 to vector<4096x1xf32>
    %add3A_55 = arith.addf %div3A_50, %add3A_54 : vector<4096x1xf32>
    %sqrt3A_56 = math.sqrt %add3A_55 : vector<4096x1xf32>
    %div3A_57 = vector.broadcast %sqrt3A_56 : vector<4096x1xf32> to vector<4096x128xf32>
    %div3A_58 = arith.divf %sub3A_52, %div3A_57 : vector<4096x128xf32>
    %swap3A = arith.constant 0 : index
    %swap3A_59 = arith.constant 0 : index
    %swap3A_60 = vector.load %arg5[%swap3A, %swap3A_59] : memref<4096x128xf32, #tpu.memory_space<vmem>>, vector<4096x128xf32>
    tpu.vector_store %arg5[%swap3A, %swap3A_59], %div3A_58 {strides = array<i32>} : memref<4096x128xf32, #tpu.memory_space<vmem>>, vector<4096x128xf32>,
    return
  }
}

</mosaic_0001>

<sc_bundles>
// kernel: kernel.5.cloned.1.call-start
scs
__scs_entry_jumppad:
0x0: {  	(pc) =	sbr.rel $0x88, $3  }
0x1: {  	(tag) =	ssettag $0x0;
	lr =	simm.s32 $0x1  }
0x2: {  	[smem:$0x3F9B] =	sst lr;
	_ =	strace $0xD0000000  }
0x3: {  	_ = 	snop  }
0x4: {  	_ = 	snop  }
0x5: {  	_ = 	snop  }
0x6: {  	_ = 	snop  }
0x7: {  	_ = 	snop  }
__scs_overlays_trampoline_lowered:
0x8: {  	[smem:$0x3FAA] =	sst s0  }
0x9: {  	[smem:$0x3FAB] =	sst s1  }
0xa: {  	[smem:$0x3FAC] =	sst s2  }
0xb: {  	[smem:$0x3FAD] =	sst s3  }
0xc: {  	[smem:$0x3FAE] =	sst s4  }
0xd: {  	[smem:$0x3FAF] =	sst s5  }
0xe: {  	[smem:$0x3FB0] =	sst s6  }
0xf: {  	[smem:$0x3FB1] =	sst s7  }
0x10: {  	[smem:$0x3FB2] =	sst s8  }
0x11: {  	[smem:$0x3FB3] =	sst s9;
	s0 =	simm.s32 @!p0 $0x0  }
0x12: {  	s1 =	sld [smem:$0x3F99];
	s0 =	simm.s32 @p0 $0x1  }
0x13: {  	[smem:$0x3FB4] =	sst s0;
	s0 =	simm.s32 @!p1 $0x0  }
0x14: {  	s2 =	sld [smem:$0x3F98];
	s0 =	simm.s32 @p1 $0x1  }
0x15: {  	[smem:$0x3FB5] =	sst s0;
	s0 =	simm.s32 @!p2 $0x0  }
0x16: {  	s3 =	sld [smem:$0x3FDB];
	s0 =	simm.s32 @p2 $0x1  }
0x17: {  	s4 =	simm.s32 $0x1BF5;
	[smem:$0x3FB7] =	sst s0  }
0x18: {  	s0 =	sld [smem:$0x3F9A];
	_ =	swait.ge [sflag:s4], $0x0  }
0x19: {  	s7 =	sld [smem:$0x3F9B]  }
0x1a: {  	s8 =	sadd.s32 $0xFFFFE003, lr  }
0x1b: {  	s9 =	sadd.s32 $0xFFFFFEF7, lr;
	s5 =	simm.s32 $0xFFFFFFFF;
	p2 =	slt.u32 s8, $0xFFFFF086  }
0x1c: {  	p1 =	slt.u32 s9, $0xF7A;
	s5 =	simm.s32 @!p2 $0x0  }
0x1d: {  	s5 =	simm.s32 @p1 $0x1;
	p0 =	seq.s32 s7, s2  }
0x1e: {  	s7 =	smul.u32 @!p0 $0xF7A, s2;
	p2 =	seq.s32 @!p0 s5, $0x0  }
0x1f: {  	s9 =	smul.u32 $0xF7A, s1;
	s8 =	simm.s32 @!p0 $0x1BF5;
	p2 =	por !p2, p0  }
0x20: {  	[sflag:s8] =	ssyncset.s32 @!p0 $0xFFFFF086;
	s6 =	sadd.s32 @!p0 s3, s7;
	s7 =	simm.s32 @!p0 $0x108  }
0x21: {  	s3 =	sadd.s32 s3, s9;
	s6 =	sadd.s32 @!p0 $0x88, s6;
	s7 =	simm.s32 @p2 $0x1082  }
0x22: {  	[simem:s7], [sflag:s8] =	dma.local @!p0 [hbm:s6], $0xF7A  }
0x23: {  	s9 =	sor.u32 $0xD0000000, s2;
	s6 =	simm.s32 $0x108;
	_ =	swait.ge @!p0 [sflag:s8], $0x0  }
0x24: {  	s3 =	sadd.s32 $0x88, s3;
	s6 =	simm.s32 @!p1 $0x1082;
	[sflag:s4] =	ssyncset.s32 $0xFFFFF086  }
0x25: {  	[simem:s6], [sflag:s4] =	dma.local [hbm:s3], $0xF7A  }
0x26: {  	[smem:$0x3F9B] =	sst s1;
	(tag) =	ssettag s2;
	_ =	strace s9  }
0x27: {  	s1 =	sld [smem:$0x3FAB]  }
0x28: {  	s2 =	sld [smem:$0x3FAC]  }
0x29: {  	s4 =	sld [smem:$0x3FAE]  }
0x2a: {  	p0 =	seq.s32 s5, $0x0;
	s5 =	sld [smem:$0x3FAF]  }
0x2b: {  	s6 =	sld [smem:$0x3FB0]  }
0x2c: {  	s7 =	sld [smem:$0x3FB1]  }
0x2d: {  	s3 =	simm.s32 $0x108;
	s8 =	sld [smem:$0x3FB2]  }
0x2e: {  	s3 =	simm.s32 @!p0 $0x1082;
	s9 =	sld [smem:$0x3FB3]  }
0x2f: {  	lr =	sadd.s32 s0, s3;
	s0 =	sld [smem:$0x3FAA]  }
0x30: {  	s3 =	sld [smem:$0x3FAD]  }
0x31: {  	[smem:$0x3FB6] =	sst s10  }
0x32: {  	s10 =	sld [smem:$0x3FB4];
	_ =	sdelay $0x3  }
0x33: {  	p0 =	seq.s32 s10, $0x1;
	s10 =	sld [smem:$0x3FB6];
	_ =	sdelay $0x3  }
0x34: {  	[smem:$0x3FB6] =	sst s10  }
0x35: {  	s10 =	sld [smem:$0x3FB5];
	_ =	sdelay $0x3  }
0x36: {  	p1 =	seq.s32 s10, $0x1;
	s10 =	sld [smem:$0x3FB6];
	_ =	sdelay $0x3  }
0x37: {  	[smem:$0x3FB6] =	sst s10  }
0x38: {  	s10 =	sld [smem:$0x3FB7]  }
0x39: {  	_ = 	snop;
	(pc) =	sbr.ind lr, $3  }
0x3a: {  	_ = 	snop  }
0x3b: {  	_ = 	snop  }
0x3c: {  	p2 =	seq.s32 s10, $0x1;
	s10 =	sld [smem:$0x3FB6]  }
0x3d: {  	_ =	shalt  }
0x3e: {  	_ =	shalt  }
0x3f: {  	_ =	shalt  }
0x40: {  	_ =	shalt  }
0x41: {  	_ =	shalt  }
0x42: {  	_ =	shalt  }
0x43: {  	_ =	shalt  }
0x44: {  	_ =	shalt  }
0x45: {  	_ =	shalt  }
0x46: {  	_ =	shalt  }
0x47: {  	_ =	shalt  }
0x48: {  	_ =	shalt  }
0x49: {  	_ =	shalt  }
0x4a: {  	_ =	shalt  }
0x4b: {  	_ =	shalt  }
0x4c: {  	_ =	shalt  }
0x4d: {  	_ =	shalt  }
0x4e: {  	_ =	shalt  }
0x4f: {  	_ =	shalt  }
0x50: {  	_ =	shalt  }
0x51: {  	_ =	shalt  }
0x52: {  	_ =	shalt  }
0x53: {  	_ =	shalt  }
0x54: {  	_ =	shalt  }
0x55: {  	_ =	shalt  }
0x56: {  	_ =	shalt  }
0x57: {  	_ =	shalt  }
0x58: {  	_ =	shalt  }
0x59: {  	_ =	shalt  }
0x5a: {  	_ =	shalt  }
0x5b: {  	_ =	shalt  }
0x5c: {  	_ =	shalt  }
0x5d: {  	_ =	shalt  }
0x5e: {  	_ =	shalt  }
0x5f: {  	_ =	shalt  }
0x60: {  	_ =	shalt  }
0x61: {  	_ =	shalt  }
0x62: {  	_ =	shalt  }
0x63: {  	_ =	shalt  }
0x64: {  	_ =	shalt  }
0x65: {  	_ =	shalt  }
0x66: {  	_ =	shalt  }
0x67: {  	_ =	shalt  }
0x68: {  	_ =	shalt  }
0x69: {  	_ =	shalt  }
0x6a: {  	_ =	shalt  }
0x6b: {  	_ =	shalt  }
0x6c: {  	_ =	shalt  }
0x6d: {  	_ =	shalt  }
0x6e: {  	_ =	shalt  }
0x6f: {  	_ =	shalt  }
0x70: {  	_ =	shalt  }
0x71: {  	_ =	shalt  }
0x72: {  	_ =	shalt  }
0x73: {  	_ =	shalt  }
0x74: {  	_ =	shalt  }
0x75: {  	_ =	shalt  }
0x76: {  	_ =	shalt  }
0x77: {  	_ =	shalt  }
0x78: {  	_ =	shalt  }
0x79: {  	_ =	shalt  }
0x7a: {  	_ =	shalt  }
0x7b: {  	_ =	shalt  }
0x7c: {  	_ =	shalt  }
0x7d: {  	_ =	shalt  }
0x7e: {  	_ =	shalt  }
0x7f: {  	_ =	shalt  }
0x80: {  	_ =	shalt  }
0x81: {  	_ =	shalt  }
0x82: {  	_ =	shalt  }
0x83: {  	_ =	shalt  }
0x84: {  	_ =	shalt  }
0x85: {  	_ =	shalt  }
0x86: {  	_ =	shalt  }
0x87: {  	_ =	shalt  }
.Lfunc_end0:
.L_simem_size_0:
called_computation_lowered:
.L_overlay_start_0:
0x88: {  	s2 =	sld [smem:$0x3FD9]  }
0x89: {  	s3 =	sld [smem:$0x3FFE];
	_ =	sdelay $0x1  }
0x8a: {  	s1 =	srdreg.scid  }
0x8b: {  	s0 =	sand.u32 $0x1, s1  }
0x8c: {  	s17 =	sshll.u32 s0, $0xA;
	s2 =	sadd.s32 s3, s2  }
0x8d: {  	s2 =	sadd.s32 s2, s17  }
0x8e: {  	[smem:$0x3FC2] =	sst s2  }
0x8f: {  	_ = 	snop  }
0x90: {  	s2 =	sld [smem:$0x3FC9]  }
0x91: {  	s18 =	sld [smem:$0x3FD0];
	(tm) =	ssettm $0x1  }
0x92: {  	s4 =	sld [smem:$0x3FFB];
	_ =	sdelay $0x3  }
0x93: {  	_ =	strace s4  }
0x94: {  	s4 =	sld [smem:$0x3FFC];
	_ =	sdelay $0x3  }
0x95: {  	_ =	strace s4  }
0x96: {  	s4 =	sld [smem:$0x3FFD];
	_ =	sdelay $0x3  }
0x97: {  	_ =	strace s4  }
0x98: {  	_ =	strace $0x8FFFFFFF  }
0x99: {  	s19 =	sld [smem:$0x3FDB];
	_ =	sdelay $0x1  }
0x9a: {  	s5 =	simm.s32 $_scs_section_size  }
0x9b: {  	s6 =	simm.s32 $_size__tile_overlayer_lowered;
	s7 =	simm.s32 $_tile_overlayer_lowered  }
0x9c: {  	s22 =	simm.s32 $0x1BFF;
	s21 =	sshll.u32 s7, $0x1;
	s4 =	sadd.s32 s5, s19  }
0x9d: {  	s8 =	simm.s32 $0x0;
	s20 =	sshll.u32 s6, $0x1;
	s6 =	sadd.s32 s21, s4  }
0x9e: {  	[timem:s8], [sflag:s22] =	dma.local [hbm:s6], s20  }
0x9f: {  	_ =	swait.ge [sflag:s22], s20  }
0xa0: {  	s5 =	ssub.s32 $0x0, s20;
	[sflag:s22] =	ssyncset.done $0x0  }
0xa1: {  	[sflag:s22] =	ssyncadd.s32 s5;
	_ =	sdelay $0x1  }
0xa2: {  	s23 =	simm.s32 $0x1B8B  }
0xa3: {  	_ =	swait.ge [sflag:s23], $0x1  }
0xa4: {  	[sflag:s23] =	ssyncset.done $0x0  }
0xa5: {  	s25 =	simm.s32 $0x1B8E;
	s24 =	sld [smem:$0x3FFE];
	[sflag:s23] =	ssyncadd.s32 $0xFFFFFFFF  }
0xa6: {  	s26 =	simm.s32 $execute0_lowered;
	[smem:$0x3FD2] =	sst s25  }
0xa7: {  	s6 =	sshll.u32 s26, $0x1;
	_ =	strace $0x80000046;
	[dreg:$0x1] =	wrdreg $0xFFFFFFFF  }
0xa8: {  	s28 =	simm.s32 $_size_execute0_lowered;
	s4 =	sadd.s32 s4, s6;
	[dreg:$0x0] =	wrdreg $0x0  }
0xa9: {  	s6 =	sshll.u32 s28, $0x1;
	[dreg:$0x2] =	wrdreg s4  }
0xaa: {  	[dreg:$0x3] =	wrdreg s6  }
0xab: {  	[dreg:$0x4] =	wrdreg $0xC0  }
0xac: {  	_ =	task [dreg:s8], $0x5FFFF  }
0xad: {  	[dreg:$0x1] =	wrdreg $0xFFFFFFFF  }
0xae: {  	[dreg:$0x0] =	wrdreg $0x60  }
0xaf: {  	[dreg:$0x2] =	wrdreg s24  }
0xb0: {  	[dreg:$0x3] =	wrdreg s2  }
0xb1: {  	[dreg:$0x4] =	wrdreg s18  }
0xb2: {  	[dreg:$0x5] =	wrdreg $0x9  }
0xb3: {  	_ =	task.clear_ibuf [dreg:s8], $0x6FFFF;
	_ =	strace $0x90000046  }
0xb4: {  	s29 =	simm.s32 $0x9;
	_ =	strace $0x80000048  }
0xb5: {  	_ =	swait.ge [sflag:s29], $0x1  }
0xb6: {  	[sflag:s29] =	ssyncadd.s32 $0xFFFFFFFF  }
0xb7: {  	_ =	strace $0x90000048  }
0xb8: {  	_ =	sfence  }
0xb9: {  	s30 =	sld [smem:$0x0];
	_ =	sdelay $0x2  }
0xba: {  	s31 =	sshll.u32 s1, $0xD;
	s1 =	sshrl.u32 s1, $0x2  }
0xbb: {  	s3 =	sand.u32 $0x4000, s31;
	s1 =	sadd.s32 s1, s30  }
0xbc: {  	s0 =	sor.u32 s3, s0;
	s1 =	sshll.u32 s1, $0x11  }
0xbd: {  	s0 =	sor.u32 s1, s0  }
0xbe: {  	s0 =	sadd.s32 $0x8F2B, s0  }
0xbf: {  	[sflag:s0] =	ssyncadd.remote.s32 $0x1  }
0xc0: {  	_ =	sfence.sel $0xFFFF  }
0xc1: {  	[dreg:$0x0] =	wrdreg $0xFFFFFFFF;
	(pc) =	sbr.abs _section_cstart, $3  }
0xc2: {  	[dreg:$0x1] =	wrdreg $0xFFFFFFFF  }
0xc3: {  	_ =	task.clear_ibuf [dreg:s8], $0x2FFFF;
	_ =	strace $0x9FFFFFFF  }
0xc4: {  	(tm) =	ssettm $0x7FFFFFFF  }
0xc5: {  	_ =	shalt  }
tec
execute0_lowered:
.L_overlay_start_1:
0x0: {  	(tag) =	ssettag $0x1  }
0x1: {  	s3 =	rddreg [dreg:$0x0]  }
0x2: {  	s5 =	rddreg [dreg:$0x1]  }
0x3: {  	s7 =	rddreg [dreg:$0x2]  }
0x4: {  	s0 =	rddreg [dreg:$0x3];
	s4 =	srdreg.scid  }
0x5: {  	s2 =	simm.s32 $0x0;
	s1 =	stileid.u32;
	s10 =	simm.s32 $0x2  }
0x6: {  	s11 =	simm.s32 $0x3;
	s12 =	simm.s32 $0x4;
	s13 =	simm.s32 $0x5  }
0x7: {  	s14 =	simm.s32 $0x0;
	s4 =	sand.u32 $0x1, s4;
	[smem:$0x7FF] =	sst s2  }
0x8: {  	s6 =	sshll.u32 s1, $0xC;
	s8 =	sshll.u32 s4, $0xB;
	s4 =	ssub.s32 $0x2, s4  }
0x9: {  	s3 =	sadd.s32 $0x1000, s3;
	s6 =	sor.u32 s8, s6;
	s31 =	sshrl.u32 s4, $0x1  }
0xa: {  	_ =	strace $0x80000047;
	s9 =	sor.u32 $0x400, s6;
	s8 =	ssub.s32 s4, s31  }
0xb: {  	s4 =	sadd.s32 s5, s6;
	s6 =	sadd.s32 s7, s6;
	s5 =	sadd.s32 s5, s9  }
0xc: {  	v0 =	vimm.s32 $0x0;
	s7 =	sadd.s32 s7, s9;
	s8 =	smax.u32 s8, $0x1;
	s9 =	simm.s32 $0x1  }
.LBB2_1:
0xd: {  	[tilespmem:s2], [sflag:$0x1] =	stream.linear.gather [hbm4b:s3+s2], $0xD000, $0x38;
	[tilespmem:$0x15000] =	vst v63  }
0xe: {  	s15 =	simm.s32 $0xD000  }
0xf: {  	s16 =	simm.s32 $0x10;
	s18 =	sadd.s32 $0x0, s4;
	s17 =	simm.s32 $0xD100  }
.LBB2_2:
0x10: {  	[tilespmem:s15], [sflag:$0x2] =	stream.linear.gather [hbm4b:s18+s2], $0x80, $0x38;
	[tilespmem:$0x15000] =	vst v63  }
0x11: {  	s18 =	smov.u32 s16;
	s15 =	smov.u32 s17;
	p0 =	sne.s32 s16, $0x3F0  }
.Ltmp0:
0x12: {  	s16 =	sadd.s32 $0x10, s16;
	(pc) =	sbr.rel @p0 .LBB2_2-.Ltmp0, $2  }
0x13: {  	_ =	sdelay $0x2  }
0x14: {  	s17 =	sadd.s32 $0x100, s17;
	s18 =	sadd.s32 s18, s4  }
0x15: {  	[tilespmem:s15], [sflag:$0x2] =	stream.linear.gather [hbm4b:s18+s2], $0x80, $0x38;
	[tilespmem:$0x15000] =	vst v63  }
0x16: {  	s15 =	simm.s32 $0xD080  }
0x17: {  	s16 =	simm.s32 $0x10;
	s18 =	sadd.s32 $0x0, s5;
	s17 =	simm.s32 $0xD180  }
.LBB2_4:
0x18: {  	[tilespmem:s15], [sflag:$0x3] =	stream.linear.gather [hbm4b:s18+s2], $0x80, $0x38;
	[tilespmem:$0x15000] =	vst v63  }
0x19: {  	s18 =	smov.u32 s16;
	s15 =	smov.u32 s17;
	p0 =	sne.s32 s16, $0x3F0  }
.Ltmp1:
0x1a: {  	s16 =	sadd.s32 $0x10, s16;
	(pc) =	sbr.rel @p0 .LBB2_4-.Ltmp1, $2  }
0x1b: {  	_ =	sdelay $0x2  }
0x1c: {  	s17 =	sadd.s32 $0x100, s17;
	s18 =	sadd.s32 s18, s5  }
0x1d: {  	[tilespmem:s15], [sflag:$0x3] =	stream.linear.gather [hbm4b:s18+s2], $0x80, $0x38;
	[tilespmem:$0x15000] =	vst v63  }
0x1e: {  	_ =	swait.ge [sflag:s9], $0xD000  }
0x1f: {  	[sflag:s9] =	ssyncset.done $0x0  }
0x20: {  	[sflag:s9] =	ssyncadd.s32 $0xFFFF3000  }
0x21: {  	_ =	swait.ge [sflag:s10], $0x2000  }
0x22: {  	[sflag:s10] =	ssyncset.done $0x0  }
0x23: {  	s31 =	simm.s32 $0xD100;
	[sflag:s10] =	ssyncadd.s32 $0xFFFFE000  }
0x24: {  	v1 =	vld [tilespmem:s31+$0x70]  }
0x25: {  	v2 =	vld [tilespmem:s31+$0xFFFFFF10]  }
0x26: {  	v3 =	vld [tilespmem:s31+$0xFFFFFF20]  }
0x27: {  	v4 =	vld [tilespmem:s31+$0xFFFFFF30]  }
0x28: {  	v5 =	vld [tilespmem:s31+$0xFFFFFF40]  }
0x29: {  	v6 =	vld [tilespmem:s31+$0xFFFFFF50]  }
0x2a: {  	v7 =	vld [tilespmem:s31+$0xFFFFFF60]  }
0x2b: {  	v10 =	vld [tilespmem:s31+$0xFFFFFF70]  }
0x2c: {  	v13 =	vld [tilespmem:s31+$0x20]  }
0x2d: {  	v55 =	vld [tilespmem:s31+$0x30]  }
0x2e: {  	v15 =	vld [tilespmem:s31+$0x40]  }
0x2f: {  	v56 =	vld [tilespmem:s31+$0x50]  }
0x30: {  	v17 =	vld [tilespmem:s31+$0xFFFFFF00];
	vm0 =	vgt.s32 v1, $0xCFFF;
	vm13 =	vgt.s32 v2, $0xCFFF  }
0x31: {  	vm12 =	vgt.s32 v3, $0xCFFF;
	vm14 =	vgt.s32 v4, $0xCFFF;
	vm10 =	vgt.s32 v5, $0xCFFF  }
0x32: {  	vm9 =	vgt.s32 v6, $0xCFFF;
	vm11 =	vgt.s32 v7, $0xCFFF;
	vm8 =	vgt.s32 v10, $0xCFFF  }
0x33: {  	vm4 =	vgt.s32 v13, $0xCFFF;
	v8 =	vsel vm0, $0xFFFF3000, v0;
	v9 =	vsel vm13, $0xFFFF3000, v0  }
0x34: {  	vm3 =	vgt.s32 v55, $0xCFFF;
	v1 =	vadd.s32 v1, v8;
	v2 =	vadd.s32 v2, v9;
	v9 =	vld [tilespmem:s31+$0x0]  }
0x35: {  	vm2 =	vgt.s32 v15, $0xCFFF;
	vm1 =	vgt.s32 v56, $0xCFFF;
	vm6 =	vgt.s32 v17, $0xCFFF  }
0x36: {  	v11 =	vsel vm14, $0xFFFF3000, v0;
	v12 =	vsel vm10, $0xFFFF3000, v0;
	v8 =	vsel vm12, $0xFFFF3000, v0  }
0x37: {  	v14 =	vsel vm8, $0xFFFF3000, v0;
	v18 =	vsel vm4, $0xFFFF3000, v0;
	v3 =	vadd.s32 v3, v8;
	v8 =	vld [tilespmem:s31+$0x10]  }
0x38: {  	v4 =	vadd.s32 v4, v11;
	v5 =	vadd.s32 v5, v12;
	v11 =	vsel vm9, $0xFFFF3000, v0  }
0x39: {  	v6 =	vadd.s32 v6, v11;
	v11 =	vsel vm11, $0xFFFF3000, v0;
	v1 =	vld.idx.msk [tilespmem:v1+s2+$0x0], $0xffff;
	vm7 =	vgt.s32 v9, $0xCFFF  }
0x3a: {  	v10 =	vadd.s32 v10, v14;
	v7 =	vadd.s32 v7, v11;
	v2 =	vld.idx.msk [tilespmem:v2+s2+$0x0], $0xffff;
	v11 =	vsel vm7, $0xFFFF3000, v0  }
0x3b: {  	v57 =	vsel vm3, $0xFFFF3000, v0;
	v19 =	vsel vm2, $0xFFFF3000, v0;
	v9 =	vadd.s32 v9, v11;
	v11 =	vld [tilespmem:s31+$0x60]  }
0x3c: {  	v59 =	vsel vm1, $0xFFFF3000, v0;
	v61 =	vsel vm6, $0xFFFF3000, v0;
	vm5 =	vgt.s32 v8, $0xCFFF;
	v3 =	vld.idx.msk [tilespmem:v3+s2+$0x0], $0xffff  }
0x3d: {  	v13 =	vadd.s32 v13, v18;
	v12 =	vadd.s32 v55, v57;
	v4 =	vld.idx.msk [tilespmem:v4+s2+$0x0], $0xffff;
	v16 =	vsel vm5, $0xFFFF3000, v0  }
0x3e: {  	v15 =	vadd.s32 v15, v19;
	v5 =	vld.idx.msk [tilespmem:v5+s2+$0x0], $0xffff;
	v8 =	vadd.s32 v8, v16;
	v16 =	vadd.s32 v17, v61  }
0x3f: {  	v10 =	vld.idx.msk [tilespmem:v10+s2+$0x0], $0xffff;
	v58 =	vshll.u32 v1, $0x10;
	v1 =	vand.u32 $0xFFFF0000, v1;
	v62 =	vshll.u32 v2, $0x10  }
0x40: {  	s15 =	simm.s32 $0x11100;
	v6 =	vld.idx.msk [tilespmem:v6+s2+$0x0], $0xffff;
	v2 =	vand.u32 $0xFFFF0000, v2;
	v1 =	vsel vm0, v1, v58;
	vm0 =	vgt.s32 v11, $0xCFFF  }
0x41: {  	v7 =	vld.idx.msk [tilespmem:v7+s2+$0x0], $0xffff;
	[tilespmem:s15+$0x70] =	vst v1;
	v1 =	vsel vm13, v2, v62;
	v2 =	vshll.u32 v3, $0x10;
	v3 =	vand.u32 $0xFFFF0000, v3  }
0x42: {  	v14 =	vadd.s32 v56, v59;
	v9 =	vld.idx.msk [tilespmem:v9+s2+$0x0], $0xffff;
	v60 =	vsel vm0, $0xFFFF3000, v0;
	[tilespmem:s15+$0xFFFFFF10] =	vst v1;
	v1 =	vsel vm12, v3, v2  }
0x43: {  	v2 =	vshll.u32 v4, $0x10;
	v3 =	vand.u32 $0xFFFF0000, v4;
	v63 =	vld.idx.msk [tilespmem:v8+s2+$0x0], $0xffff;
	v4 =	vand.u32 $0xFFFF0000, v5  }
0x44: {  	v11 =	vadd.s32 v11, v60;
	[tilespmem:s15+$0xFFFFFF20] =	vst v1;
	v1 =	vsel vm14, v3, v2;
	v3 =	vshll.u32 v5, $0x10;
	v2 =	vld.idx.msk [tilespmem:v13+s2+$0x0], $0xffff  }
0x45: {  	v5 =	vshll.u32 v6, $0x10;
	v6 =	vand.u32 $0xFFFF0000, v6;
	[tilespmem:s15+$0xFFFFFF30] =	vst v1;
	v4 =	vsel vm10, v4, v3;
	v3 =	vld.idx.msk [tilespmem:v12+s2+$0x0], $0xffff  }
0x46: {  	v1 =	vld.idx.msk [tilespmem:v16+s2+$0x0], $0xffff;
	[tilespmem:s15+$0xFFFFFF40] =	vst v4;
	v4 =	vsel vm9, v6, v5;
	v5 =	vshll.u32 v7, $0x10;
	v6 =	vand.u32 $0xFFFF0000, v7  }
0x47: {  	v7 =	vand.u32 $0xFFFF0000, v10;
	[tilespmem:s15+$0xFFFFFF50] =	vst v4;
	v5 =	vsel vm11, v6, v5;
	v6 =	vshll.u32 v10, $0x10;
	v4 =	vld.idx.msk [tilespmem:v15+s2+$0x0], $0xffff  }
0x48: {  	v8 =	vand.u32 $0xFFFF0000, v9;
	[tilespmem:s15+$0xFFFFFF60] =	vst v5;
	v6 =	vsel vm8, v7, v6;
	v7 =	vshll.u32 v9, $0x10;
	v5 =	vld.idx.msk [tilespmem:v14+s2+$0x0], $0xffff  }
0x49: {  	s16 =	simm.s32 $0x0;
	s17 =	simm.s32 $0xD300;
	v9 =	vand.u32 $0xFFFF0000, v63;
	[tilespmem:s15+$0xFFFFFF70] =	vst v6;
	v7 =	vsel vm7, v8, v7;
	v8 =	vshll.u32 v63, $0x10;
	v6 =	vld.idx.msk [tilespmem:v11+s2+$0x0], $0xffff  }
.LBB2_6:
0x4a: {  	v10 =	vld [tilespmem:s17+$0x70];
	s16 =	sadd.s32 $0x10, s16;
	[tilespmem:s15+$0x0] =	vst v7;
	v7 =	vsel vm5, v9, v8;
	v8 =	vshll.u32 v2, $0x10;
	v2 =	vand.u32 $0xFFFF0000, v2  }
0x4b: {  	v9 =	vld [tilespmem:s17+$0xFFFFFF10];
	p0 =	slt.u32 s16, $0x1F0;
	[tilespmem:s15+$0x10] =	vst v7;
	v2 =	vsel vm4, v2, v8;
	v7 =	vshll.u32 v3, $0x10;
	v3 =	vand.u32 $0xFFFF0000, v3  }
0x4c: {  	v11 =	vshll.u32 v1, $0x10;
	v1 =	vand.u32 $0xFFFF0000, v1;
	v8 =	vld [tilespmem:s17+$0xFFFFFF20];
	[tilespmem:s15+$0x20] =	vst v2;
	v2 =	vsel vm3, v3, v7  }
0x4d: {  	v1 =	vsel vm6, v1, v11;
	v3 =	vld [tilespmem:s17+$0xFFFFFF30];
	[tilespmem:s15+$0x30] =	vst v2;
	v2 =	vshll.u32 v4, $0x10;
	v4 =	vand.u32 $0xFFFF0000, v4  }
0x4e: {  	v7 =	vld [tilespmem:s17+$0xFFFFFF40];
	[tilespmem:s15+$0xFFFFFF00] =	vst v1;
	v1 =	vsel vm2, v4, v2;
	v2 =	vshll.u32 v5, $0x10;
	v4 =	vand.u32 $0xFFFF0000, v5  }
0x4f: {  	v5 =	vld [tilespmem:s17+$0xFFFFFF50];
	vm6 =	vgt.s32 v10, $0xCFFF;
	[tilespmem:s15+$0x40] =	vst v1;
	v1 =	vshll.u32 v6, $0x10;
	v6 =	vand.u32 $0xFFFF0000, v6  }
0x50: {  	v2 =	vsel vm1, v4, v2;
	vm11 =	vgt.s32 v9, $0xCFFF;
	v11 =	vld [tilespmem:s17+$0xFFFFFF60];
	v12 =	vsel vm6, $0xFFFF3000, v0  }
0x51: {  	v4 =	vsel vm11, $0xFFFF3000, v0;
	vm12 =	vgt.s32 v8, $0xCFFF;
	v13 =	vld [tilespmem:s17+$0xFFFFFF70];
	v10 =	vadd.s32 v10, v12;
	[tilespmem:s15+$0x50] =	vst v2  }
0x52: {  	v2 =	vadd.s32 v9, v4;
	v4 =	vsel vm12, $0xFFFF3000, v0;
	vm14 =	vgt.s32 v3, $0xCFFF;
	v9 =	vld [tilespmem:s17+$0x0]  }
0x53: {  	v4 =	vadd.s32 v8, v4;
	v8 =	vsel vm14, $0xFFFF3000, v0;
	vm13 =	vgt.s32 v7, $0xCFFF;
	v12 =	vld [tilespmem:s17+$0x10]  }
0x54: {  	v3 =	vadd.s32 v3, v8;
	v8 =	vsel vm13, $0xFFFF3000, v0;
	vm9 =	vgt.s32 v5, $0xCFFF;
	v14 =	vld [tilespmem:s17+$0x20]  }
0x55: {  	v7 =	vadd.s32 v7, v8;
	v8 =	vsel vm9, $0xFFFF3000, v0;
	vm10 =	vgt.s32 v11, $0xCFFF;
	v15 =	vld [tilespmem:s17+$0x30]  }
0x56: {  	v5 =	vadd.s32 v5, v8;
	v8 =	vsel vm10, $0xFFFF3000, v0;
	vm8 =	vgt.s32 v13, $0xCFFF;
	v10 =	vld.idx.msk [tilespmem:v10+s2+$0x0], $0xffff  }
0x57: {  	v8 =	vadd.s32 v11, v8;
	v11 =	vsel vm8, $0xFFFF3000, v0;
	vm7 =	vgt.s32 v9, $0xCFFF;
	v16 =	vld [tilespmem:s17+$0x40]  }
0x58: {  	v11 =	vadd.s32 v13, v11;
	v13 =	vsel vm7, $0xFFFF3000, v0;
	vm5 =	vgt.s32 v12, $0xCFFF;
	v17 =	vld [tilespmem:s17+$0x50]  }
0x59: {  	v9 =	vadd.s32 v9, v13;
	v13 =	vsel vm5, $0xFFFF3000, v0;
	vm4 =	vgt.s32 v14, $0xCFFF;
	v18 =	vld [tilespmem:s17+$0x60]  }
0x5a: {  	v19 =	vld [tilespmem:s17+$0xFFFFFF00];
	v12 =	vadd.s32 v12, v13;
	v13 =	vsel vm4, $0xFFFF3000, v0;
	vm3 =	vgt.s32 v15, $0xCFFF  }
0x5b: {  	v1 =	vsel vm0, v6, v1;
	v2 =	vld.idx.msk [tilespmem:v2+s2+$0x0], $0xffff;
	v13 =	vadd.s32 v14, v13;
	v14 =	vsel vm3, $0xFFFF3000, v0  }
0x5c: {  	v6 =	vshll.u32 v10, $0x10;
	v10 =	vand.u32 $0xFFFF0000, v10;
	v4 =	vld.idx.msk [tilespmem:v4+s2+$0x0], $0xffff;
	vm2 =	vgt.s32 v16, $0xCFFF;
	[tilespmem:s15+$0x60] =	vst v1  }
0x5d: {  	v6 =	vsel vm6, v10, v6;
	s15 =	sadd.s32 $0x200, s15;
	v1 =	vld.idx.msk [tilespmem:v3+s2+$0x0], $0xffff;
	v3 =	vsel vm2, $0xFFFF3000, v0;
	vm1 =	vgt.s32 v17, $0xCFFF  }
0x5e: {  	v10 =	vadd.s32 v15, v14;
	v7 =	vld.idx.msk [tilespmem:v7+s2+$0x0], $0xffff;
	v14 =	vsel vm1, $0xFFFF3000, v0;
	vm0 =	vgt.s32 v18, $0xCFFF;
	[tilespmem:s15+$0x70] =	vst v6  }
0x5f: {  	v6 =	vadd.s32 v16, v3;
	vm6 =	vgt.s32 v19, $0xCFFF;
	v5 =	vld.idx.msk [tilespmem:v5+s2+$0x0], $0xffff;
	v3 =	vsel vm0, $0xFFFF3000, v0  }
0x60: {  	v14 =	vadd.s32 v17, v14;
	v15 =	vsel vm6, $0xFFFF3000, v0;
	v8 =	vld.idx.msk [tilespmem:v8+s2+$0x0], $0xffff;
	v16 =	vadd.s32 v18, v3  }
0x61: {  	v3 =	vshll.u32 v2, $0x10;
	v2 =	vand.u32 $0xFFFF0000, v2;
	v15 =	vadd.s32 v19, v15;
	v11 =	vld.idx.msk [tilespmem:v11+s2+$0x0], $0xffff  }
0x62: {  	v2 =	vsel vm11, v2, v3;
	v3 =	vshll.u32 v4, $0x10;
	v4 =	vand.u32 $0xFFFF0000, v4;
	v9 =	vld.idx.msk [tilespmem:v9+s2+$0x0], $0xffff  }
0x63: {  	[tilespmem:s15+$0xFFFFFF10] =	vst v2;
	v2 =	vsel vm12, v4, v3;
	v3 =	vshll.u32 v1, $0x10;
	v1 =	vand.u32 $0xFFFF0000, v1;
	v12 =	vld.idx.msk [tilespmem:v12+s2+$0x0], $0xffff  }
0x64: {  	v4 =	vand.u32 $0xFFFF0000, v7;
	[tilespmem:s15+$0xFFFFFF20] =	vst v2;
	v1 =	vsel vm14, v1, v3;
	v3 =	vshll.u32 v7, $0x10;
	v2 =	vld.idx.msk [tilespmem:v13+s2+$0x0], $0xffff  }
.Ltmp2:
0x65: {  	v7 =	vshll.u32 v5, $0x10;
	v5 =	vand.u32 $0xFFFF0000, v5;
	[tilespmem:s15+$0xFFFFFF30] =	vst v1;
	v4 =	vsel vm13, v4, v3;
	v3 =	vld.idx.msk [tilespmem:v10+s2+$0x0], $0xffff;
	(pc) =	sbr.rel @p0 .LBB2_6-.Ltmp2, $4  }
0x66: {  	v1 =	vld.idx.msk [tilespmem:v15+s2+$0x0], $0xffff;
	[tilespmem:s15+$0xFFFFFF40] =	vst v4;
	v4 =	vsel vm9, v5, v7;
	v5 =	vshll.u32 v8, $0x10;
	v7 =	vand.u32 $0xFFFF0000, v8  }
0x67: {  	v8 =	vand.u32 $0xFFFF0000, v11;
	[tilespmem:s15+$0xFFFFFF50] =	vst v4;
	v5 =	vsel vm10, v7, v5;
	v7 =	vshll.u32 v11, $0x10;
	v4 =	vld.idx.msk [tilespmem:v6+s2+$0x0], $0xffff  }
0x68: {  	[tilespmem:s15+$0xFFFFFF60] =	vst v5;
	v6 =	vsel vm8, v8, v7;
	v7 =	vshll.u32 v9, $0x10;
	v8 =	vand.u32 $0xFFFF0000, v9;
	v5 =	vld.idx.msk [tilespmem:v14+s2+$0x0], $0xffff  }
0x69: {  	s17 =	sadd.s32 $0x200, s17;
	v9 =	vand.u32 $0xFFFF0000, v12;
	[tilespmem:s15+$0xFFFFFF70] =	vst v6;
	v7 =	vsel vm7, v8, v7;
	v8 =	vshll.u32 v12, $0x10;
	v6 =	vld.idx.msk [tilespmem:v16+s2+$0x0], $0xffff  }
0x6a: {  	[tilespmem:s15+$0x0] =	vst v7;
	v59 =	vsel vm5, v9, v8;
	v60 =	vshll.u32 v2, $0x10;
	v2 =	vand.u32 $0xFFFF0000, v2  }
0x6b: {  	v61 =	vshll.u32 v3, $0x10;
	v3 =	vand.u32 $0xFFFF0000, v3;
	[tilespmem:s15+$0x10] =	vst v59;
	v2 =	vsel vm4, v2, v60  }
0x6c: {  	v62 =	vshll.u32 v1, $0x10;
	v1 =	vand.u32 $0xFFFF0000, v1;
	[tilespmem:s15+$0x20] =	vst v2;
	v2 =	vsel vm3, v3, v61  }
0x6d: {  	v1 =	vsel vm6, v1, v62;
	v3 =	vand.u32 $0xFFFF0000, v4;
	[tilespmem:s15+$0x30] =	vst v2;
	v2 =	vshll.u32 v4, $0x10  }
0x6e: {  	[tilespmem:s15+$0xFFFFFF00] =	vst v1;
	v1 =	vsel vm2, v3, v2;
	v2 =	vshll.u32 v5, $0x10;
	v3 =	vand.u32 $0xFFFF0000, v5  }
0x6f: {  	v63 =	vand.u32 $0xFFFF0000, v6;
	[tilespmem:s15+$0x40] =	vst v1;
	v1 =	vshll.u32 v6, $0x10;
	v2 =	vsel vm1, v3, v2  }
0x70: {  	s16 =	simm.s32 $0x11000;
	[tilespmem:s15+$0x50] =	vst v2;
	v1 =	vsel vm0, v63, v1  }
0x71: {  	s18 =	sadd.s32 $0x0, s6;
	s17 =	simm.s32 $0x11100;
	[tilespmem:s15+$0x60] =	vst v1;
	s15 =	simm.s32 $0x10  }
.LBB2_8:
0x72: {  	[hbm4b:s18+s2] =	stream.linear.scatter [tilespmem:s16], [sflag:$0x4], $0x80, $0x38;
	[tilespmem:$0x15000] =	vst v63  }
0x73: {  	s18 =	smov.u32 s15;
	s16 =	smov.u32 s17;
	p0 =	sne.s32 s15, $0x3F0  }
.Ltmp3:
0x74: {  	s15 =	sadd.s32 $0x10, s15;
	(pc) =	sbr.rel @p0 .LBB2_8-.Ltmp3, $2  }
0x75: {  	_ =	sdelay $0x2  }
0x76: {  	s17 =	sadd.s32 $0x100, s17;
	s18 =	sadd.s32 s18, s6  }
0x77: {  	[hbm4b:s18+s2] =	stream.linear.scatter [tilespmem:s16], [sflag:$0x4], $0x80, $0x38;
	[tilespmem:$0x15000] =	vst v63  }
0x78: {  	_ =	swait.ge [sflag:s11], $0x2000  }
0x79: {  	[sflag:s11] =	ssyncset.done $0x0  }
0x7a: {  	s15 =	simm.s32 $0xD180;
	[sflag:s11] =	ssyncadd.s32 $0xFFFFE000  }
0x7b: {  	v1 =	vld [tilespmem:s15+$0x70]  }
0x7c: {  	v2 =	vld [tilespmem:s15+$0xFFFFFF10]  }
0x7d: {  	v3 =	vld [tilespmem:s15+$0xFFFFFF20]  }
0x7e: {  	v4 =	vld [tilespmem:s15+$0xFFFFFF30]  }
0x7f: {  	v5 =	vld [tilespmem:s15+$0xFFFFFF40]  }
0x80: {  	v6 =	vld [tilespmem:s15+$0xFFFFFF50]  }
0x81: {  	v7 =	vld [tilespmem:s15+$0xFFFFFF60]  }
0x82: {  	v10 =	vld [tilespmem:s15+$0xFFFFFF70]  }
0x83: {  	v13 =	vld [tilespmem:s15+$0x20]  }
0x84: {  	v55 =	vld [tilespmem:s15+$0x30]  }
0x85: {  	v15 =	vld [tilespmem:s15+$0x40]  }
0x86: {  	v56 =	vld [tilespmem:s15+$0x50]  }
0x87: {  	v17 =	vld [tilespmem:s15+$0xFFFFFF00];
	vm0 =	vgt.s32 v1, $0xCFFF;
	vm13 =	vgt.s32 v2, $0xCFFF  }
0x88: {  	vm12 =	vgt.s32 v3, $0xCFFF;
	vm14 =	vgt.s32 v4, $0xCFFF;
	vm10 =	vgt.s32 v5, $0xCFFF  }
0x89: {  	vm9 =	vgt.s32 v6, $0xCFFF;
	vm11 =	vgt.s32 v7, $0xCFFF;
	vm8 =	vgt.s32 v10, $0xCFFF  }
0x8a: {  	vm4 =	vgt.s32 v13, $0xCFFF;
	v8 =	vsel vm0, $0xFFFF3000, v0;
	v9 =	vsel vm13, $0xFFFF3000, v0  }
0x8b: {  	vm3 =	vgt.s32 v55, $0xCFFF;
	v1 =	vadd.s32 v1, v8;
	v2 =	vadd.s32 v2, v9;
	v9 =	vld [tilespmem:s15+$0x0]  }
0x8c: {  	vm2 =	vgt.s32 v15, $0xCFFF;
	vm1 =	vgt.s32 v56, $0xCFFF;
	vm6 =	vgt.s32 v17, $0xCFFF  }
0x8d: {  	v11 =	vsel vm14, $0xFFFF3000, v0;
	v12 =	vsel vm10, $0xFFFF3000, v0;
	v8 =	vsel vm12, $0xFFFF3000, v0  }
0x8e: {  	v14 =	vsel vm8, $0xFFFF3000, v0;
	v18 =	vsel vm4, $0xFFFF3000, v0;
	v3 =	vadd.s32 v3, v8;
	v8 =	vld [tilespmem:s15+$0x10]  }
0x8f: {  	v4 =	vadd.s32 v4, v11;
	v5 =	vadd.s32 v5, v12;
	v11 =	vsel vm9, $0xFFFF3000, v0  }
0x90: {  	v6 =	vadd.s32 v6, v11;
	v11 =	vsel vm11, $0xFFFF3000, v0;
	v1 =	vld.idx.msk [tilespmem:v1+s2+$0x0], $0xffff;
	vm7 =	vgt.s32 v9, $0xCFFF  }
0x91: {  	v10 =	vadd.s32 v10, v14;
	v7 =	vadd.s32 v7, v11;
	v2 =	vld.idx.msk [tilespmem:v2+s2+$0x0], $0xffff;
	v11 =	vsel vm7, $0xFFFF3000, v0  }
0x92: {  	v57 =	vsel vm3, $0xFFFF3000, v0;
	v19 =	vsel vm2, $0xFFFF3000, v0;
	v9 =	vadd.s32 v9, v11;
	v11 =	vld [tilespmem:s15+$0x60]  }
0x93: {  	v59 =	vsel vm1, $0xFFFF3000, v0;
	v61 =	vsel vm6, $0xFFFF3000, v0;
	vm5 =	vgt.s32 v8, $0xCFFF;
	v3 =	vld.idx.msk [tilespmem:v3+s2+$0x0], $0xffff  }
0x94: {  	v13 =	vadd.s32 v13, v18;
	v12 =	vadd.s32 v55, v57;
	v4 =	vld.idx.msk [tilespmem:v4+s2+$0x0], $0xffff;
	v16 =	vsel vm5, $0xFFFF3000, v0  }
0x95: {  	v15 =	vadd.s32 v15, v19;
	v5 =	vld.idx.msk [tilespmem:v5+s2+$0x0], $0xffff;
	v8 =	vadd.s32 v8, v16;
	v16 =	vadd.s32 v17, v61  }
0x96: {  	v10 =	vld.idx.msk [tilespmem:v10+s2+$0x0], $0xffff;
	v58 =	vshll.u32 v1, $0x10;
	v1 =	vand.u32 $0xFFFF0000, v1;
	v62 =	vshll.u32 v2, $0x10  }
0x97: {  	v6 =	vld.idx.msk [tilespmem:v6+s2+$0x0], $0xffff;
	s15 =	simm.s32 $0x11180;
	v2 =	vand.u32 $0xFFFF0000, v2;
	v1 =	vsel vm0, v1, v58;
	vm0 =	vgt.s32 v11, $0xCFFF  }
0x98: {  	v7 =	vld.idx.msk [tilespmem:v7+s2+$0x0], $0xffff;
	[tilespmem:s15+$0x70] =	vst v1;
	v1 =	vsel vm13, v2, v62;
	v2 =	vshll.u32 v3, $0x10;
	v3 =	vand.u32 $0xFFFF0000, v3  }
0x99: {  	v14 =	vadd.s32 v56, v59;
	v9 =	vld.idx.msk [tilespmem:v9+s2+$0x0], $0xffff;
	v60 =	vsel vm0, $0xFFFF3000, v0;
	[tilespmem:s15+$0xFFFFFF10] =	vst v1;
	v1 =	vsel vm12, v3, v2  }
0x9a: {  	v2 =	vshll.u32 v4, $0x10;
	v3 =	vand.u32 $0xFFFF0000, v4;
	v63 =	vld.idx.msk [tilespmem:v8+s2+$0x0], $0xffff;
	v4 =	vand.u32 $0xFFFF0000, v5  }
0x9b: {  	v11 =	vadd.s32 v11, v60;
	[tilespmem:s15+$0xFFFFFF20] =	vst v1;
	v1 =	vsel vm14, v3, v2;
	v3 =	vshll.u32 v5, $0x10;
	v2 =	vld.idx.msk [tilespmem:v13+s2+$0x0], $0xffff  }
0x9c: {  	v5 =	vshll.u32 v6, $0x10;
	v6 =	vand.u32 $0xFFFF0000, v6;
	[tilespmem:s15+$0xFFFFFF30] =	vst v1;
	v4 =	vsel vm10, v4, v3;
	v3 =	vld.idx.msk [tilespmem:v12+s2+$0x0], $0xffff  }
0x9d: {  	v1 =	vld.idx.msk [tilespmem:v16+s2+$0x0], $0xffff;
	[tilespmem:s15+$0xFFFFFF40] =	vst v4;
	v4 =	vsel vm9, v6, v5;
	v5 =	vshll.u32 v7, $0x10;
	v6 =	vand.u32 $0xFFFF0000, v7  }
0x9e: {  	v7 =	vand.u32 $0xFFFF0000, v10;
	[tilespmem:s15+$0xFFFFFF50] =	vst v4;
	v5 =	vsel vm11, v6, v5;
	v6 =	vshll.u32 v10, $0x10;
	v4 =	vld.idx.msk [tilespmem:v15+s2+$0x0], $0xffff  }
0x9f: {  	v8 =	vand.u32 $0xFFFF0000, v9;
	[tilespmem:s15+$0xFFFFFF60] =	vst v5;
	v6 =	vsel vm8, v7, v6;
	v7 =	vshll.u32 v9, $0x10;
	v5 =	vld.idx.msk [tilespmem:v14+s2+$0x0], $0xffff  }
0xa0: {  	s16 =	simm.s32 $0x0;
	s17 =	simm.s32 $0xD380;
	v9 =	vand.u32 $0xFFFF0000, v63;
	[tilespmem:s15+$0xFFFFFF70] =	vst v6;
	v7 =	vsel vm7, v8, v7;
	v8 =	vshll.u32 v63, $0x10;
	v6 =	vld.idx.msk [tilespmem:v11+s2+$0x0], $0xffff  }
.LBB2_10:
0xa1: {  	v10 =	vld [tilespmem:s17+$0x70];
	s16 =	sadd.s32 $0x10, s16;
	[tilespmem:s15+$0x0] =	vst v7;
	v7 =	vsel vm5, v9, v8;
	v8 =	vshll.u32 v2, $0x10;
	v2 =	vand.u32 $0xFFFF0000, v2  }
0xa2: {  	v9 =	vld [tilespmem:s17+$0xFFFFFF10];
	p0 =	slt.u32 s16, $0x1F0;
	[tilespmem:s15+$0x10] =	vst v7;
	v2 =	vsel vm4, v2, v8;
	v7 =	vshll.u32 v3, $0x10;
	v3 =	vand.u32 $0xFFFF0000, v3  }
0xa3: {  	v11 =	vshll.u32 v1, $0x10;
	v1 =	vand.u32 $0xFFFF0000, v1;
	v8 =	vld [tilespmem:s17+$0xFFFFFF20];
	[tilespmem:s15+$0x20] =	vst v2;
	v2 =	vsel vm3, v3, v7  }
0xa4: {  	v1 =	vsel vm6, v1, v11;
	v3 =	vld [tilespmem:s17+$0xFFFFFF30];
	[tilespmem:s15+$0x30] =	vst v2;
	v2 =	vshll.u32 v4, $0x10;
	v4 =	vand.u32 $0xFFFF0000, v4  }
0xa5: {  	v7 =	vld [tilespmem:s17+$0xFFFFFF40];
	[tilespmem:s15+$0xFFFFFF00] =	vst v1;
	v1 =	vsel vm2, v4, v2;
	v2 =	vshll.u32 v5, $0x10;
	v4 =	vand.u32 $0xFFFF0000, v5  }
0xa6: {  	v5 =	vld [tilespmem:s17+$0xFFFFFF50];
	vm6 =	vgt.s32 v10, $0xCFFF;
	[tilespmem:s15+$0x40] =	vst v1;
	v1 =	vshll.u32 v6, $0x10;
	v6 =	vand.u32 $0xFFFF0000, v6  }
0xa7: {  	v2 =	vsel vm1, v4, v2;
	vm11 =	vgt.s32 v9, $0xCFFF;
	v11 =	vld [tilespmem:s17+$0xFFFFFF60];
	v12 =	vsel vm6, $0xFFFF3000, v0  }
0xa8: {  	v4 =	vsel vm11, $0xFFFF3000, v0;
	vm12 =	vgt.s32 v8, $0xCFFF;
	v13 =	vld [tilespmem:s17+$0xFFFFFF70];
	v10 =	vadd.s32 v10, v12;
	[tilespmem:s15+$0x50] =	vst v2  }
0xa9: {  	v2 =	vadd.s32 v9, v4;
	v4 =	vsel vm12, $0xFFFF3000, v0;
	vm14 =	vgt.s32 v3, $0xCFFF;
	v9 =	vld [tilespmem:s17+$0x0]  }
0xaa: {  	v4 =	vadd.s32 v8, v4;
	v8 =	vsel vm14, $0xFFFF3000, v0;
	vm13 =	vgt.s32 v7, $0xCFFF;
	v12 =	vld [tilespmem:s17+$0x10]  }
0xab: {  	v3 =	vadd.s32 v3, v8;
	v8 =	vsel vm13, $0xFFFF3000, v0;
	vm9 =	vgt.s32 v5, $0xCFFF;
	v14 =	vld [tilespmem:s17+$0x20]  }
0xac: {  	v7 =	vadd.s32 v7, v8;
	v8 =	vsel vm9, $0xFFFF3000, v0;
	vm10 =	vgt.s32 v11, $0xCFFF;
	v15 =	vld [tilespmem:s17+$0x30]  }
0xad: {  	v5 =	vadd.s32 v5, v8;
	v8 =	vsel vm10, $0xFFFF3000, v0;
	vm8 =	vgt.s32 v13, $0xCFFF;
	v10 =	vld.idx.msk [tilespmem:v10+s2+$0x0], $0xffff  }
0xae: {  	v8 =	vadd.s32 v11, v8;
	v11 =	vsel vm8, $0xFFFF3000, v0;
	vm7 =	vgt.s32 v9, $0xCFFF;
	v16 =	vld [tilespmem:s17+$0x40]  }
0xaf: {  	v11 =	vadd.s32 v13, v11;
	v13 =	vsel vm7, $0xFFFF3000, v0;
	vm5 =	vgt.s32 v12, $0xCFFF;
	v17 =	vld [tilespmem:s17+$0x50]  }
0xb0: {  	v9 =	vadd.s32 v9, v13;
	v13 =	vsel vm5, $0xFFFF3000, v0;
	vm4 =	vgt.s32 v14, $0xCFFF;
	v18 =	vld [tilespmem:s17+$0x60]  }
0xb1: {  	v19 =	vld [tilespmem:s17+$0xFFFFFF00];
	v12 =	vadd.s32 v12, v13;
	v13 =	vsel vm4, $0xFFFF3000, v0;
	vm3 =	vgt.s32 v15, $0xCFFF  }
0xb2: {  	v1 =	vsel vm0, v6, v1;
	v2 =	vld.idx.msk [tilespmem:v2+s2+$0x0], $0xffff;
	v13 =	vadd.s32 v14, v13;
	v14 =	vsel vm3, $0xFFFF3000, v0  }
0xb3: {  	v6 =	vshll.u32 v10, $0x10;
	v10 =	vand.u32 $0xFFFF0000, v10;
	v4 =	vld.idx.msk [tilespmem:v4+s2+$0x0], $0xffff;
	vm2 =	vgt.s32 v16, $0xCFFF;
	[tilespmem:s15+$0x60] =	vst v1  }
0xb4: {  	v6 =	vsel vm6, v10, v6;
	s15 =	sadd.s32 $0x200, s15;
	v1 =	vld.idx.msk [tilespmem:v3+s2+$0x0], $0xffff;
	v3 =	vsel vm2, $0xFFFF3000, v0;
	vm1 =	vgt.s32 v17, $0xCFFF  }
0xb5: {  	v10 =	vadd.s32 v15, v14;
	v7 =	vld.idx.msk [tilespmem:v7+s2+$0x0], $0xffff;
	v14 =	vsel vm1, $0xFFFF3000, v0;
	vm0 =	vgt.s32 v18, $0xCFFF;
	[tilespmem:s15+$0x70] =	vst v6  }
0xb6: {  	v6 =	vadd.s32 v16, v3;
	vm6 =	vgt.s32 v19, $0xCFFF;
	v5 =	vld.idx.msk [tilespmem:v5+s2+$0x0], $0xffff;
	v3 =	vsel vm0, $0xFFFF3000, v0  }
0xb7: {  	v14 =	vadd.s32 v17, v14;
	v15 =	vsel vm6, $0xFFFF3000, v0;
	v8 =	vld.idx.msk [tilespmem:v8+s2+$0x0], $0xffff;
	v16 =	vadd.s32 v18, v3  }
0xb8: {  	v3 =	vshll.u32 v2, $0x10;
	v2 =	vand.u32 $0xFFFF0000, v2;
	v15 =	vadd.s32 v19, v15;
	v11 =	vld.idx.msk [tilespmem:v11+s2+$0x0], $0xffff  }
0xb9: {  	v2 =	vsel vm11, v2, v3;
	v3 =	vshll.u32 v4, $0x10;
	v4 =	vand.u32 $0xFFFF0000, v4;
	v9 =	vld.idx.msk [tilespmem:v9+s2+$0x0], $0xffff  }
0xba: {  	[tilespmem:s15+$0xFFFFFF10] =	vst v2;
	v2 =	vsel vm12, v4, v3;
	v3 =	vshll.u32 v1, $0x10;
	v1 =	vand.u32 $0xFFFF0000, v1;
	v12 =	vld.idx.msk [tilespmem:v12+s2+$0x0], $0xffff  }
0xbb: {  	v4 =	vand.u32 $0xFFFF0000, v7;
	[tilespmem:s15+$0xFFFFFF20] =	vst v2;
	v1 =	vsel vm14, v1, v3;
	v3 =	vshll.u32 v7, $0x10;
	v2 =	vld.idx.msk [tilespmem:v13+s2+$0x0], $0xffff  }
.Ltmp4:
0xbc: {  	v7 =	vshll.u32 v5, $0x10;
	v5 =	vand.u32 $0xFFFF0000, v5;
	[tilespmem:s15+$0xFFFFFF30] =	vst v1;
	v4 =	vsel vm13, v4, v3;
	v3 =	vld.idx.msk [tilespmem:v10+s2+$0x0], $0xffff;
	(pc) =	sbr.rel @p0 .LBB2_10-.Ltmp4, $4  }
0xbd: {  	v1 =	vld.idx.msk [tilespmem:v15+s2+$0x0], $0xffff;
	[tilespmem:s15+$0xFFFFFF40] =	vst v4;
	v4 =	vsel vm9, v5, v7;
	v5 =	vshll.u32 v8, $0x10;
	v7 =	vand.u32 $0xFFFF0000, v8  }
0xbe: {  	v8 =	vand.u32 $0xFFFF0000, v11;
	[tilespmem:s15+$0xFFFFFF50] =	vst v4;
	v5 =	vsel vm10, v7, v5;
	v7 =	vshll.u32 v11, $0x10;
	v4 =	vld.idx.msk [tilespmem:v6+s2+$0x0], $0xffff  }
0xbf: {  	[tilespmem:s15+$0xFFFFFF60] =	vst v5;
	v6 =	vsel vm8, v8, v7;
	v7 =	vshll.u32 v9, $0x10;
	v8 =	vand.u32 $0xFFFF0000, v9;
	v5 =	vld.idx.msk [tilespmem:v14+s2+$0x0], $0xffff  }
0xc0: {  	s17 =	sadd.s32 $0x200, s17;
	v9 =	vand.u32 $0xFFFF0000, v12;
	[tilespmem:s15+$0xFFFFFF70] =	vst v6;
	v7 =	vsel vm7, v8, v7;
	v8 =	vshll.u32 v12, $0x10;
	v6 =	vld.idx.msk [tilespmem:v16+s2+$0x0], $0xffff  }
0xc1: {  	[tilespmem:s15+$0x0] =	vst v7;
	v59 =	vsel vm5, v9, v8;
	v60 =	vshll.u32 v2, $0x10;
	v2 =	vand.u32 $0xFFFF0000, v2  }
0xc2: {  	v61 =	vshll.u32 v3, $0x10;
	v3 =	vand.u32 $0xFFFF0000, v3;
	[tilespmem:s15+$0x10] =	vst v59;
	v2 =	vsel vm4, v2, v60  }
0xc3: {  	v62 =	vshll.u32 v1, $0x10;
	v1 =	vand.u32 $0xFFFF0000, v1;
	[tilespmem:s15+$0x20] =	vst v2;
	v2 =	vsel vm3, v3, v61  }
0xc4: {  	v1 =	vsel vm6, v1, v62;
	v3 =	vand.u32 $0xFFFF0000, v4;
	[tilespmem:s15+$0x30] =	vst v2;
	v2 =	vshll.u32 v4, $0x10  }
0xc5: {  	[tilespmem:s15+$0xFFFFFF00] =	vst v1;
	v1 =	vsel vm2, v3, v2;
	v2 =	vshll.u32 v5, $0x10;
	v3 =	vand.u32 $0xFFFF0000, v5  }
0xc6: {  	v63 =	vand.u32 $0xFFFF0000, v6;
	[tilespmem:s15+$0x40] =	vst v1;
	v1 =	vshll.u32 v6, $0x10;
	v2 =	vsel vm1, v3, v2  }
0xc7: {  	s16 =	simm.s32 $0x11080;
	[tilespmem:s15+$0x50] =	vst v2;
	v1 =	vsel vm0, v63, v1  }
0xc8: {  	s18 =	sadd.s32 $0x0, s7;
	s17 =	simm.s32 $0x11180;
	[tilespmem:s15+$0x60] =	vst v1;
	s15 =	simm.s32 $0x10  }
.LBB2_12:
0xc9: {  	[hbm4b:s18+s2] =	stream.linear.scatter [tilespmem:s16], [sflag:$0x5], $0x80, $0x38;
	[tilespmem:$0x15000] =	vst v63  }
0xca: {  	s18 =	smov.u32 s15;
	s16 =	smov.u32 s17;
	p0 =	sne.s32 s15, $0x3F0  }
.Ltmp5:
0xcb: {  	s15 =	sadd.s32 $0x10, s15;
	(pc) =	sbr.rel @p0 .LBB2_12-.Ltmp5, $2  }
0xcc: {  	_ =	sdelay $0x2  }
0xcd: {  	s17 =	sadd.s32 $0x100, s17;
	s18 =	sadd.s32 s18, s7  }
0xce: {  	[hbm4b:s18+s2] =	stream.linear.scatter [tilespmem:s16], [sflag:$0x5], $0x80, $0x38;
	[tilespmem:$0x15000] =	vst v63  }
0xcf: {  	s14 =	sadd.s32 $0x1, s14  }
0xd0: {  	_ =	swait.ge [sflag:s12], $0x2000;
	p0 =	sne.s32 s14, s8  }
.Ltmp6:
0xd1: {  	[sflag:s12] =	ssyncset.done $0x0;
	(pc) =	sbr.rel @p0 .LBB2_1-.Ltmp6, $4  }
0xd2: {  	[sflag:s12] =	ssyncadd.s32 $0xFFFFE000  }
0xd3: {  	_ =	swait.ge [sflag:s13], $0x2000  }
0xd4: {  	[sflag:s13] =	ssyncset.done $0x0  }
0xd5: {  	[sflag:s13] =	ssyncadd.s32 $0xFFFFE000  }
0xd6: {  	_ =	sfence.sel $0x180000  }
0xd7: {  	[bflag:$0x0] =	sbarrier.arrive $0xFFFF  }
0xd8: {  	p0 =	sne.s32 s1, $0x0;
	_ =	strace $0x90000047  }
0xd9: {  	s0 =	sadd.s32 @!p0 $0x100000, s0;
	[bflag:$0x2] =	sbarrier.arrive $0xFFFF  }
0xda: {  	[sflag:s0] =	ssyncadd.tile.s32 @!p0 $0x1;
	_ =	shalt  }
.Lfunc_end2:
_tile_overlayer_lowered:
.L_overlay_start_2:
0xdb: {  	(tag) =	ssettag $0x2  }
0xdc: {  	s0 =	rddreg [dreg:$0x0];
	s2 =	stileid.u32  }
0xdd: {  	s1 =	rddreg [dreg:$0x1];
	p0 =	sne.s32 s2, $0x0  }
0xde: {  	s3 =	rddreg [dreg:$0x2];
	[bflag:$0x3] =	sbarrier.arrive $0xFFFF;
	s2 =	simm.s32 @!p0 $0x1C06  }
0xdf: {  	[timem:s3], [sflag:s2] =	dma.local @!p0 [hbm:s0], s1  }
0xe0: {  	s0 =	simm.s32 @!p0 $0x6  }
0xe1: {  	_ =	swait.ge @!p0 [sflag:s0], s1  }
0xe2: {  	s1 =	ssub.s32 @!p0 $0x0, s1;
	[sflag:s0] =	ssyncset.done @!p0 $0x0  }
0xe3: {  	[sflag:s0] =	ssyncadd.s32 @!p0 s1  }
0xe4: {  	[bflag:$0x3] =	sbarrier.arrive $0xFFFF  }
0xe5: {  	_ =	shalt  }

</sc_bundles>
